<compile_context>
chip_gen: v7x
topology: tpu7x:2x2x1
jax: 0.10.2.dev20260603
libtpu: 0.0.44.dev20260713+nightly
codegen_flags: <defaults>
</compile_context>

<pallas_src>
import functools

import jax
import jax.numpy as jnp
from jax import lax
from jax.experimental import pallas as pl
from jax.experimental.pallas import tpu as pltpu
from jax.experimental.pallas import tpu_sc as plsc

EMBED = 64
PADW = 128
OUT_D = 65
LANES = 16
NC, NS = 2, 16
NW = NC * NS
CH = 256
NB = 2
UNROLL = 8


def _emb_body(bpw, pitch_hbm, idx_hbm, table_hbm, out_hbm,
              idx_v, pitch_v, rows_v, out_v, gsems):
    wid = lax.axis_index("s") * NC + lax.axis_index("c")
    base = wid * bpw
    iota = lax.iota(jnp.int32, LANES)
    nch = bpw // CH

    pltpu.sync_copy(idx_hbm.at[pl.ds(base, bpw)], idx_v)
    pltpu.sync_copy(pitch_hbm.at[pl.ds(base, bpw)], pitch_v)

    def gather(k):
        pltpu.async_copy(
            table_hbm.at[idx_v.at[pl.ds(k * CH, CH)]], rows_v.at[k % NB],
            gsems.at[k % NB],
        )

    gather(0)
    for k in range(nch):
        b = k % NB
        pltpu.make_async_copy(
            table_hbm.at[pl.ds(0, CH)], rows_v.at[b], gsems.at[b]
        ).wait()
        if k + 1 < nch:
            gather(k + 1)

        def row_body(g, c2, b=b):
            for u in range(UNROLL):
                r = g * UNROLL + u
                for c in range(EMBED // LANES):
                    out_v[r, pl.ds(1 + c * LANES, LANES)] = (
                        rows_v[b, r, pl.ds(c * LANES, LANES)]
                    )
            return c2

        lax.fori_loop(0, CH // UNROLL, row_body, 0)

        zsplat = jnp.zeros((LANES,), jnp.int32)

        def pitch_body(g, c2, k=k, zsplat=zsplat):
            vals = pitch_v[pl.ds(k * CH + g * LANES, LANES)]
            ridx = iota + g * LANES
            plsc.store_scatter(out_v, [ridx, zsplat], vals)
            return c2

        lax.fori_loop(0, CH // LANES, pitch_body, 0)

        pltpu.sync_copy(out_v, out_hbm.at[pl.ds(base + k * CH, CH)])


def kernel(pitch, timbre_id, table):
    batch = pitch.shape[0]
    bpw = batch // NW

    table_p = jnp.pad(table, ((0, 0), (0, PADW - EMBED)))

    mesh = plsc.VectorSubcoreMesh(
        core_axis_name="c", subcore_axis_name="s", num_cores=NC, num_subcores=NS
    )
    run = functools.partial(
        pl.kernel,
        out_type=jax.ShapeDtypeStruct((batch, OUT_D), jnp.float32),
        mesh=mesh,
        compiler_params=pltpu.CompilerParams(
            needs_layout_passes=False, use_tc_tiling_on_sc=True
        ),
        scratch_types=[
            pltpu.VMEM((batch // NW,), jnp.int32),
            pltpu.VMEM((batch // NW,), jnp.float32),
            pltpu.VMEM((NB, CH, PADW), jnp.float32),
            pltpu.VMEM((CH, OUT_D), jnp.float32),
            pltpu.SemaphoreType.DMA((NB,)),
        ],
    )(functools.partial(_emb_body, bpw))
    return run(pitch, timbre_id, table_p)

# --- scband reference (transcript-rebuilt; emitter-appended) ---
"""Pipeline reference for scband-timbre-embedding-38792144617918 (READ-ONLY COPY).

The authoritative reference and input builder live on the scoring server;
editing this copy changes nothing except your own understanding.
"""

import jax, jax.numpy as jnp
import numpy as np

VOCAB = 100000
EMBED_DIM = 64
BATCH = 16384


def setup_inputs(seed: int = 0) -> dict:
    key = jax.random.key(seed)
    k1, k2, k3 = jax.random.split(key, 3)
    pitch = jax.random.uniform(k1, (BATCH,), dtype=jnp.float32)
    timbre_id = jax.random.randint(k2, (BATCH,), 0, VOCAB, dtype=jnp.int32)
    table = jax.random.normal(k3, (VOCAB, EMBED_DIM), dtype=jnp.float32) * 0.02
    return {"pitch": pitch, "timbre_id": timbre_id, "table": table}


def reference(pitch, timbre_id, table):
    # Embedding lookup: gather rows of the table by timbre_id
    emb = jnp.take(table, timbre_id, axis=0)  # [batch, embed_dim]
    # Concat normalized pitch as leading condition feature
    cond = jnp.concatenate([pitch[:, None], emb], axis=-1)  # [batch, 1+embed_dim]
    return cond

if __name__ == "__main__":
    import jax
    _d = setup_inputs()
    print(jax.jit(kernel)(*tuple(_d.values())))

</pallas_src>

<mosaic_0001>
#map = affine_map<(d0, d1) -> (0)>
#map1 = affine_map<(d0, d1) -> (0, 0)>
module attributes {stable_mosaic.version = 14 : i64} {
  func.func @_emb_body(%arg0: i32, %arg1: i32, %arg2: memref<16384xf32, #tpu.memory_space<hbm>>, %arg3: memref<16384xi32, #tpu.memory_space<hbm>>, %arg4: memref<100000x128xf32, #tpu.memory_space<hbm>>, %arg5: memref<16384x65xf32, #tpu.memory_space<hbm>>, %arg6: memref<512xi32, #tpu.memory_space<vmem>>, %arg7: memref<512xf32, #tpu.memory_space<vmem>>, %arg8: memref<2x256x128xf32, #tpu.memory_space<vmem>>, %arg9: memref<256x65xf32, #tpu.memory_space<vmem>>, %arg10: memref<2x!tpu.dma_semaphore, #tpu.memory_space<semaphore_mem>>) attributes {dimension_semantics = [#tpu.dimension_semantics<core_parallel>, #tpu.dimension_semantics<subcore_parallel>], iteration_bounds = array<i64: 2, 16>, scalar_prefetch = 0 : i64, scratch_operands = 5 : i64, tpu.core_type = #tpu.core_type<sc_vector_subcore>, window_params = [{transform_indices = #map}, {transform_indices = #map}, {transform_indices = #map1}, {transform_indices = #map1}]} {
    %mul3A = arith.constant 2 : i32
    %mul3A_0 = arith.muli %arg1, %mul3A : i32
    %add3A = arith.addi %mul3A_0, %arg0 : i32
    %mul3A_1 = arith.constant 512 : i32
    %mul3A_2 = arith.muli %add3A, %mul3A_1 : i32
    %iota3A = tpu.iota {dimensions = array<i32: 0>} : vector<16xi32>
    "tpu.region"() ({
      %run_scoped3A = tpu.sem_alloc : memref<!tpu.dma_semaphore, #tpu.memory_space<semaphore_mem>>
      %dma_start3A_93 = tpu.memref_slice %arg3[%mul3A_2] : memref<16384xi32, #tpu.memory_space<hbm>> -> memref<512xi32, #tpu.memory_space<hbm>>
      %dma_start3A_94 = tpu.memref_slice %arg3[%mul3A_2] : memref<16384xi32, #tpu.memory_space<hbm>> -> memref<512xi32, #tpu.memory_space<hbm>>
      tpu.enqueue_dma source(%dma_start3A_94 : memref<512xi32, #tpu.memory_space<hbm>>) target(%arg6 : memref<512xi32, #tpu.memory_space<vmem>>) target_semaphore(%run_scoped3A : memref<!tpu.dma_semaphore, #tpu.memory_space<semaphore_mem>>)
      %dma_wait3A_95 = tpu.memref_slice %arg3[%mul3A_2] : memref<16384xi32, #tpu.memory_space<hbm>> -> memref<512xi32, #tpu.memory_space<hbm>>
      %dma_wait3A_96 = tpu.memref_slice %arg3[%mul3A_2] : memref<16384xi32, #tpu.memory_space<hbm>> -> memref<512xi32, #tpu.memory_space<hbm>>
      tpu.wait_dma2 semaphore(%run_scoped3A : memref<!tpu.dma_semaphore, #tpu.memory_space<semaphore_mem>>) src(%dma_wait3A_96 : memref<512xi32, #tpu.memory_space<hbm>>) dst(%arg6 : memref<512xi32, #tpu.memory_space<vmem>>)
      tpu.yield
    }) : () -> ()
    "tpu.region"() ({
      %run_scoped3A = tpu.sem_alloc : memref<!tpu.dma_semaphore, #tpu.memory_space<semaphore_mem>>
      %dma_start3A_93 = tpu.memref_slice %arg2[%mul3A_2] : memref<16384xf32, #tpu.memory_space<hbm>> -> memref<512xf32, #tpu.memory_space<hbm>>
      %dma_start3A_94 = tpu.memref_slice %arg2[%mul3A_2] : memref<16384xf32, #tpu.memory_space<hbm>> -> memref<512xf32, #tpu.memory_space<hbm>>
      tpu.enqueue_dma source(%dma_start3A_94 : memref<512xf32, #tpu.memory_space<hbm>>) target(%arg7 : memref<512xf32, #tpu.memory_space<vmem>>) target_semaphore(%run_scoped3A : memref<!tpu.dma_semaphore, #tpu.memory_space<semaphore_mem>>)
      %dma_wait3A_95 = tpu.memref_slice %arg2[%mul3A_2] : memref<16384xf32, #tpu.memory_space<hbm>> -> memref<512xf32, #tpu.memory_space<hbm>>
      %dma_wait3A_96 = tpu.memref_slice %arg2[%mul3A_2] : memref<16384xf32, #tpu.memory_space<hbm>> -> memref<512xf32, #tpu.memory_space<hbm>>
      tpu.wait_dma2 semaphore(%run_scoped3A : memref<!tpu.dma_semaphore, #tpu.memory_space<semaphore_mem>>) src(%dma_wait3A_96 : memref<512xf32, #tpu.memory_space<hbm>>) dst(%arg7 : memref<512xf32, #tpu.memory_space<vmem>>)
      tpu.yield
    }) : () -> ()
    %dma_start3A = arith.constant 0 : i32
    %dma_start3A_3 = arith.constant 0 : i32
    %dma_start3A_4 = arith.constant 0 : i32
    %dma_start3A_5 = arith.constant 0 : i32
    %dma_start3A_6 = tpu.memref_slice %arg8[%dma_start3A, %dma_start3A_4, %dma_start3A_5] : memref<2x256x128xf32, #tpu.memory_space<vmem>> -> memref<1x256x128xf32, #tpu.memory_space<vmem>>
    %dma_start3A_7 = tpu.memref_squeeze %dma_start3A_6 : memref<1x256x128xf32, #tpu.memory_space<vmem>> -> memref<256x128xf32, #tpu.memory_space<vmem>>
    %dma_start3A_8 = arith.constant 0 : i32
    %dma_start3A_9 = tpu.memref_slice %arg6[%dma_start3A_8] : memref<512xi32, #tpu.memory_space<vmem>> -> memref<256xi32, #tpu.memory_space<vmem>>
    %dma_start3A_10 = arith.constant 0 : i32
    %dma_start3A_11 = arith.constant 0 : i32
    %dma_start3A_12 = tpu.memref_slice %arg4[%dma_start3A_10, %dma_start3A_11] : memref<100000x128xf32, #tpu.memory_space<hbm>> -> memref<100000x128xf32, #tpu.memory_space<hbm>>
    %dma_start3A_13 = tpu.memref_slice %arg10[%dma_start3A_3] : memref<2x!tpu.dma_semaphore, #tpu.memory_space<semaphore_mem>> -> memref<1x!tpu.dma_semaphore, #tpu.memory_space<semaphore_mem>>
    %dma_start3A_14 = tpu.memref_squeeze %dma_start3A_13 : memref<1x!tpu.dma_semaphore, #tpu.memory_space<semaphore_mem>> -> memref<!tpu.dma_semaphore, #tpu.memory_space<semaphore_mem>>
    tpu.enqueue_indirect_dma source(%dma_start3A_12 : memref<100000x128xf32, #tpu.memory_space<hbm>>) target(%dma_start3A_7 : memref<256x128xf32, #tpu.memory_space<vmem>>) offsets(%dma_start3A_9 : memref<256xi32, #tpu.memory_space<vmem>>) semaphore(%dma_start3A_14 : memref<!tpu.dma_semaphore, #tpu.memory_space<semaphore_mem>>)
    %dma_wait3A = arith.constant 0 : i32
    %dma_wait3A_15 = arith.constant 0 : i32
    %dma_wait3A_16 = arith.constant 0 : i32
    %dma_wait3A_17 = arith.constant 0 : i32
    %dma_wait3A_18 = tpu.memref_slice %arg8[%dma_wait3A, %dma_wait3A_16, %dma_wait3A_17] : memref<2x256x128xf32, #tpu.memory_space<vmem>> -> memref<1x256x128xf32, #tpu.memory_space<vmem>>
    %dma_wait3A_19 = tpu.memref_squeeze %dma_wait3A_18 : memref<1x256x128xf32, #tpu.memory_space<vmem>> -> memref<256x128xf32, #tpu.memory_space<vmem>>
    %dma_wait3A_20 = arith.constant 0 : i32
    %dma_wait3A_21 = arith.constant 0 : i32
    %dma_wait3A_22 = tpu.memref_slice %arg4[%dma_wait3A_20, %dma_wait3A_21] : memref<100000x128xf32, #tpu.memory_space<hbm>> -> memref<256x128xf32, #tpu.memory_space<hbm>>
    %dma_wait3A_23 = tpu.memref_slice %arg10[%dma_wait3A_15] : memref<2x!tpu.dma_semaphore, #tpu.memory_space<semaphore_mem>> -> memref<1x!tpu.dma_semaphore, #tpu.memory_space<semaphore_mem>>
    %dma_wait3A_24 = tpu.memref_squeeze %dma_wait3A_23 : memref<1x!tpu.dma_semaphore, #tpu.memory_space<semaphore_mem>> -> memref<!tpu.dma_semaphore, #tpu.memory_space<semaphore_mem>>
    %dma_wait3A_25 = arith.constant 0 : i32
    %dma_wait3A_26 = arith.constant 0 : i32
    %dma_wait3A_27 = tpu.memref_slice %arg8[%dma_wait3A, %dma_wait3A_25, %dma_wait3A_26] : memref<2x256x128xf32, #tpu.memory_space<vmem>> -> memref<1x256x128xf32, #tpu.memory_space<vmem>>
    %dma_wait3A_28 = tpu.memref_squeeze %dma_wait3A_27 : memref<1x256x128xf32, #tpu.memory_space<vmem>> -> memref<256x128xf32, #tpu.memory_space<vmem>>
    %dma_wait3A_29 = arith.constant 0 : i32
    %dma_wait3A_30 = arith.constant 0 : i32
    %dma_wait3A_31 = tpu.memref_slice %arg4[%dma_wait3A_29, %dma_wait3A_30] : memref<100000x128xf32, #tpu.memory_space<hbm>> -> memref<256x128xf32, #tpu.memory_space<hbm>>
    tpu.wait_dma2 semaphore(%dma_wait3A_24 : memref<!tpu.dma_semaphore, #tpu.memory_space<semaphore_mem>>) src(%dma_wait3A_31 : memref<256x128xf32, #tpu.memory_space<hbm>>) dst(%dma_wait3A_28 : memref<256x128xf32, #tpu.memory_space<vmem>>)
    %dma_start3A_32 = arith.constant 1 : i32
    %dma_start3A_33 = arith.constant 1 : i32
    %dma_start3A_34 = arith.constant 0 : i32
    %dma_start3A_35 = arith.constant 0 : i32
    %dma_start3A_36 = tpu.memref_slice %arg8[%dma_start3A_32, %dma_start3A_34, %dma_start3A_35] : memref<2x256x128xf32, #tpu.memory_space<vmem>> -> memref<1x256x128xf32, #tpu.memory_space<vmem>>
    %dma_start3A_37 = tpu.memref_squeeze %dma_start3A_36 : memref<1x256x128xf32, #tpu.memory_space<vmem>> -> memref<256x128xf32, #tpu.memory_space<vmem>>
    %dma_start3A_38 = arith.constant 256 : i32
    %dma_start3A_39 = tpu.memref_slice %arg6[%dma_start3A_38] : memref<512xi32, #tpu.memory_space<vmem>> -> memref<256xi32, #tpu.memory_space<vmem>>
    %dma_start3A_40 = arith.constant 0 : i32
    %dma_start3A_41 = arith.constant 0 : i32
    %dma_start3A_42 = tpu.memref_slice %arg4[%dma_start3A_40, %dma_start3A_41] : memref<100000x128xf32, #tpu.memory_space<hbm>> -> memref<100000x128xf32, #tpu.memory_space<hbm>>
    %dma_start3A_43 = tpu.memref_slice %arg10[%dma_start3A_33] : memref<2x!tpu.dma_semaphore, #tpu.memory_space<semaphore_mem>> -> memref<1x!tpu.dma_semaphore, #tpu.memory_space<semaphore_mem>>
    %dma_start3A_44 = tpu.memref_squeeze %dma_start3A_43 : memref<1x!tpu.dma_semaphore, #tpu.memory_space<semaphore_mem>> -> memref<!tpu.dma_semaphore, #tpu.memory_space<semaphore_mem>>
    tpu.enqueue_indirect_dma source(%dma_start3A_42 : memref<100000x128xf32, #tpu.memory_space<hbm>>) target(%dma_start3A_37 : memref<256x128xf32, #tpu.memory_space<vmem>>) offsets(%dma_start3A_39 : memref<256xi32, #tpu.memory_space<vmem>>) semaphore(%dma_start3A_44 : memref<!tpu.dma_semaphore, #tpu.memory_space<semaphore_mem>>)
    %scan3A = arith.constant 0 : i32
    %scan3A_45 = arith.constant 0 : i32
    %scan3A_46 = arith.constant 32 : i32
    %scan3A_47 = arith.addi %scan3A_45, %scan3A_46 : i32
    %scan3A_48 = arith.constant 1 : i32
    scf.for %scan3A_93 = %scan3A_45 to %scan3A_47 step %scan3A_48  : i32 {
      %mul3A_94 = arith.constant 8 : i32
      %mul3A_95 = arith.muli %scan3A_93, %mul3A_94 : i32
      %add3A_96 = arith.constant 0 : i32
      %add3A_97 = arith.addi %mul3A_95, %add3A_96 : i32
      %get3A = arith.constant 0 : i32
      %get3A_98 = arith.index_cast %get3A : i32 to index
      %get3A_99 = arith.index_cast %add3A_97 : i32 to index
      %get3A_100 = arith.constant 0 : index
      %get3A_101 = tpu.vector_load %arg8[%get3A_98, %get3A_99, %get3A_100] {strides = array<i32>} : memref<2x256x128xf32, #tpu.memory_space<vmem>>, vector<16xf32>,
      %swap3A = arith.index_cast %add3A_97 : i32 to index
      %swap3A_102 = arith.constant 1 : index
      %swap3A_103 = tpu.vector_load %arg9[%swap3A, %swap3A_102] {strides = array<i32>} : memref<256x65xf32, #tpu.memory_space<vmem>>, vector<16xf32>,
      tpu.vector_store %arg9[%swap3A, %swap3A_102], %get3A_101 {strides = array<i32>} : memref<256x65xf32, #tpu.memory_space<vmem>>, vector<16xf32>,
      %get3A_104 = arith.constant 0 : i32
      %get3A_105 = arith.index_cast %get3A_104 : i32 to index
      %get3A_106 = arith.index_cast %add3A_97 : i32 to index
      %get3A_107 = arith.constant 16 : index
      %get3A_108 = tpu.vector_load %arg8[%get3A_105, %get3A_106, %get3A_107] {strides = array<i32>} : memref<2x256x128xf32, #tpu.memory_space<vmem>>, vector<16xf32>,
      %swap3A_109 = arith.index_cast %add3A_97 : i32 to index
      %swap3A_110 = arith.constant 17 : index
      %swap3A_111 = tpu.vector_load %arg9[%swap3A_109, %swap3A_110] {strides = array<i32>} : memref<256x65xf32, #tpu.memory_space<vmem>>, vector<16xf32>,
      tpu.vector_store %arg9[%swap3A_109, %swap3A_110], %get3A_108 {strides = array<i32>} : memref<256x65xf32, #tpu.memory_space<vmem>>, vector<16xf32>,
      %get3A_112 = arith.constant 0 : i32
      %get3A_113 = arith.index_cast %get3A_112 : i32 to index
      %get3A_114 = arith.index_cast %add3A_97 : i32 to index
      %get3A_115 = arith.constant 32 : index
      %get3A_116 = tpu.vector_load %arg8[%get3A_113, %get3A_114, %get3A_115] {strides = array<i32>} : memref<2x256x128xf32, #tpu.memory_space<vmem>>, vector<16xf32>,
      %swap3A_117 = arith.index_cast %add3A_97 : i32 to index
      %swap3A_118 = arith.constant 33 : index
      %swap3A_119 = tpu.vector_load %arg9[%swap3A_117, %swap3A_118] {strides = array<i32>} : memref<256x65xf32, #tpu.memory_space<vmem>>, vector<16xf32>,
      tpu.vector_store %arg9[%swap3A_117, %swap3A_118], %get3A_116 {strides = array<i32>} : memref<256x65xf32, #tpu.memory_space<vmem>>, vector<16xf32>,
      %get3A_120 = arith.constant 0 : i32
      %get3A_121 = arith.index_cast %get3A_120 : i32 to index
      %get3A_122 = arith.index_cast %add3A_97 : i32 to index
      %get3A_123 = arith.constant 48 : index
      %get3A_124 = tpu.vector_load %arg8[%get3A_121, %get3A_122, %get3A_123] {strides = array<i32>} : memref<2x256x128xf32, #tpu.memory_space<vmem>>, vector<16xf32>,
      %swap3A_125 = arith.index_cast %add3A_97 : i32 to index
      %swap3A_126 = arith.constant 49 : index
      %swap3A_127 = tpu.vector_load %arg9[%swap3A_125, %swap3A_126] {strides = array<i32>} : memref<256x65xf32, #tpu.memory_space<vmem>>, vector<16xf32>,
      tpu.vector_store %arg9[%swap3A_125, %swap3A_126], %get3A_124 {strides = array<i32>} : memref<256x65xf32, #tpu.memory_space<vmem>>, vector<16xf32>,
      %mul3A_128 = arith.constant 8 : i32
      %mul3A_129 = arith.muli %scan3A_93, %mul3A_128 : i32
      %add3A_130 = arith.constant 1 : i32
      %add3A_131 = arith.addi %mul3A_129, %add3A_130 : i32
      %get3A_132 = arith.constant 0 : i32
      %get3A_133 = arith.index_cast %get3A_132 : i32 to index
      %get3A_134 = arith.index_cast %add3A_131 : i32 to index
      %get3A_135 = arith.constant 0 : index
      %get3A_136 = tpu.vector_load %arg8[%get3A_133, %get3A_134, %get3A_135] {strides = array<i32>} : memref<2x256x128xf32, #tpu.memory_space<vmem>>, vector<16xf32>,
      %swap3A_137 = arith.index_cast %add3A_131 : i32 to index
      %swap3A_138 = arith.constant 1 : index
      %swap3A_139 = tpu.vector_load %arg9[%swap3A_137, %swap3A_138] {strides = array<i32>} : memref<256x65xf32, #tpu.memory_space<vmem>>, vector<16xf32>,
      tpu.vector_store %arg9[%swap3A_137, %swap3A_138], %get3A_136 {strides = array<i32>} : memref<256x65xf32, #tpu.memory_space<vmem>>, vector<16xf32>,
      %get3A_140 = arith.constant 0 : i32
      %get3A_141 = arith.index_cast %get3A_140 : i32 to index
      %get3A_142 = arith.index_cast %add3A_131 : i32 to index
      %get3A_143 = arith.constant 16 : index
      %get3A_144 = tpu.vector_load %arg8[%get3A_141, %get3A_142, %get3A_143] {strides = array<i32>} : memref<2x256x128xf32, #tpu.memory_space<vmem>>, vector<16xf32>,
      %swap3A_145 = arith.index_cast %add3A_131 : i32 to index
      %swap3A_146 = arith.constant 17 : index
      %swap3A_147 = tpu.vector_load %arg9[%swap3A_145, %swap3A_146] {strides = array<i32>} : memref<256x65xf32, #tpu.memory_space<vmem>>, vector<16xf32>,
      tpu.vector_store %arg9[%swap3A_145, %swap3A_146], %get3A_144 {strides = array<i32>} : memref<256x65xf32, #tpu.memory_space<vmem>>, vector<16xf32>,
      %get3A_148 = arith.constant 0 : i32
      %get3A_149 = arith.index_cast %get3A_148 : i32 to index
      %get3A_150 = arith.index_cast %add3A_131 : i32 to index
      %get3A_151 = arith.constant 32 : index
      %get3A_152 = tpu.vector_load %arg8[%get3A_149, %get3A_150, %get3A_151] {strides = array<i32>} : memref<2x256x128xf32, #tpu.memory_space<vmem>>, vector<16xf32>,
      %swap3A_153 = arith.index_cast %add3A_131 : i32 to index
      %swap3A_154 = arith.constant 33 : index
      %swap3A_155 = tpu.vector_load %arg9[%swap3A_153, %swap3A_154] {strides = array<i32>} : memref<256x65xf32, #tpu.memory_space<vmem>>, vector<16xf32>,
      tpu.vector_store %arg9[%swap3A_153, %swap3A_154], %get3A_152 {strides = array<i32>} : memref<256x65xf32, #tpu.memory_space<vmem>>, vector<16xf32>,
      %get3A_156 = arith.constant 0 : i32
      %get3A_157 = arith.index_cast %get3A_156 : i32 to index
      %get3A_158 = arith.index_cast %add3A_131 : i32 to index
      %get3A_159 = arith.constant 48 : index
      %get3A_160 = tpu.vector_load %arg8[%get3A_157, %get3A_158, %get3A_159] {strides = array<i32>} : memref<2x256x128xf32, #tpu.memory_space<vmem>>, vector<16xf32>,
      %swap3A_161 = arith.index_cast %add3A_131 : i32 to index
      %swap3A_162 = arith.constant 49 : index
      %swap3A_163 = tpu.vector_load %arg9[%swap3A_161, %swap3A_162] {strides = array<i32>} : memref<256x65xf32, #tpu.memory_space<vmem>>, vector<16xf32>,
      tpu.vector_store %arg9[%swap3A_161, %swap3A_162], %get3A_160 {strides = array<i32>} : memref<256x65xf32, #tpu.memory_space<vmem>>, vector<16xf32>,
      %mul3A_164 = arith.constant 8 : i32
      %mul3A_165 = arith.muli %scan3A_93, %mul3A_164 : i32
      %add3A_166 = arith.constant 2 : i32
      %add3A_167 = arith.addi %mul3A_165, %add3A_166 : i32
      %get3A_168 = arith.constant 0 : i32
      %get3A_169 = arith.index_cast %get3A_168 : i32 to index
      %get3A_170 = arith.index_cast %add3A_167 : i32 to index
      %get3A_171 = arith.constant 0 : index
      %get3A_172 = tpu.vector_load %arg8[%get3A_169, %get3A_170, %get3A_171] {strides = array<i32>} : memref<2x256x128xf32, #tpu.memory_space<vmem>>, vector<16xf32>,
      %swap3A_173 = arith.index_cast %add3A_167 : i32 to index
      %swap3A_174 = arith.constant 1 : index
      %swap3A_175 = tpu.vector_load %arg9[%swap3A_173, %swap3A_174] {strides = array<i32>} : memref<256x65xf32, #tpu.memory_space<vmem>>, vector<16xf32>,
      tpu.vector_store %arg9[%swap3A_173, %swap3A_174], %get3A_172 {strides = array<i32>} : memref<256x65xf32, #tpu.memory_space<vmem>>, vector<16xf32>,
      %get3A_176 = arith.constant 0 : i32
      %get3A_177 = arith.index_cast %get3A_176 : i32 to index
      %get3A_178 = arith.index_cast %add3A_167 : i32 to index
      %get3A_179 = arith.constant 16 : index
      %get3A_180 = tpu.vector_load %arg8[%get3A_177, %get3A_178, %get3A_179] {strides = array<i32>} : memref<2x256x128xf32, #tpu.memory_space<vmem>>, vector<16xf32>,
      %swap3A_181 = arith.index_cast %add3A_167 : i32 to index
      %swap3A_182 = arith.constant 17 : index
      %swap3A_183 = tpu.vector_load %arg9[%swap3A_181, %swap3A_182] {strides = array<i32>} : memref<256x65xf32, #tpu.memory_space<vmem>>, vector<16xf32>,
      tpu.vector_store %arg9[%swap3A_181, %swap3A_182], %get3A_180 {strides = array<i32>} : memref<256x65xf32, #tpu.memory_space<vmem>>, vector<16xf32>,
      %get3A_184 = arith.constant 0 : i32
      %get3A_185 = arith.index_cast %get3A_184 : i32 to index
      %get3A_186 = arith.index_cast %add3A_167 : i32 to index
      %get3A_187 = arith.constant 32 : index
      %get3A_188 = tpu.vector_load %arg8[%get3A_185, %get3A_186, %get3A_187] {strides = array<i32>} : memref<2x256x128xf32, #tpu.memory_space<vmem>>, vector<16xf32>,
      %swap3A_189 = arith.index_cast %add3A_167 : i32 to index
      %swap3A_190 = arith.constant 33 : index
      %swap3A_191 = tpu.vector_load %arg9[%swap3A_189, %swap3A_190] {strides = array<i32>} : memref<256x65xf32, #tpu.memory_space<vmem>>, vector<16xf32>,
      tpu.vector_store %arg9[%swap3A_189, %swap3A_190], %get3A_188 {strides = array<i32>} : memref<256x65xf32, #tpu.memory_space<vmem>>, vector<16xf32>,
      %get3A_192 = arith.constant 0 : i32
      %get3A_193 = arith.index_cast %get3A_192 : i32 to index
      %get3A_194 = arith.index_cast %add3A_167 : i32 to index
      %get3A_195 = arith.constant 48 : index
      %get3A_196 = tpu.vector_load %arg8[%get3A_193, %get3A_194, %get3A_195] {strides = array<i32>} : memref<2x256x128xf32, #tpu.memory_space<vmem>>, vector<16xf32>,
      %swap3A_197 = arith.index_cast %add3A_167 : i32 to index
      %swap3A_198 = arith.constant 49 : index
      %swap3A_199 = tpu.vector_load %arg9[%swap3A_197, %swap3A_198] {strides = array<i32>} : memref<256x65xf32, #tpu.memory_space<vmem>>, vector<16xf32>,
      tpu.vector_store %arg9[%swap3A_197, %swap3A_198], %get3A_196 {strides = array<i32>} : memref<256x65xf32, #tpu.memory_space<vmem>>, vector<16xf32>,
      %mul3A_200 = arith.constant 8 : i32
      %mul3A_201 = arith.muli %scan3A_93, %mul3A_200 : i32
      %add3A_202 = arith.constant 3 : i32
      %add3A_203 = arith.addi %mul3A_201, %add3A_202 : i32
      %get3A_204 = arith.constant 0 : i32
      %get3A_205 = arith.index_cast %get3A_204 : i32 to index
      %get3A_206 = arith.index_cast %add3A_203 : i32 to index
      %get3A_207 = arith.constant 0 : index
      %get3A_208 = tpu.vector_load %arg8[%get3A_205, %get3A_206, %get3A_207] {strides = array<i32>} : memref<2x256x128xf32, #tpu.memory_space<vmem>>, vector<16xf32>,
      %swap3A_209 = arith.index_cast %add3A_203 : i32 to index
      %swap3A_210 = arith.constant 1 : index
      %swap3A_211 = tpu.vector_load %arg9[%swap3A_209, %swap3A_210] {strides = array<i32>} : memref<256x65xf32, #tpu.memory_space<vmem>>, vector<16xf32>,
      tpu.vector_store %arg9[%swap3A_209, %swap3A_210], %get3A_208 {strides = array<i32>} : memref<256x65xf32, #tpu.memory_space<vmem>>, vector<16xf32>,
      %get3A_212 = arith.constant 0 : i32
      %get3A_213 = arith.index_cast %get3A_212 : i32 to index
      %get3A_214 = arith.index_cast %add3A_203 : i32 to index
      %get3A_215 = arith.constant 16 : index
      %get3A_216 = tpu.vector_load %arg8[%get3A_213, %get3A_214, %get3A_215] {strides = array<i32>} : memref<2x256x128xf32, #tpu.memory_space<vmem>>, vector<16xf32>,
      %swap3A_217 = arith.index_cast %add3A_203 : i32 to index
      %swap3A_218 = arith.constant 17 : index
      %swap3A_219 = tpu.vector_load %arg9[%swap3A_217, %swap3A_218] {strides = array<i32>} : memref<256x65xf32, #tpu.memory_space<vmem>>, vector<16xf32>,
      tpu.vector_store %arg9[%swap3A_217, %swap3A_218], %get3A_216 {strides = array<i32>} : memref<256x65xf32, #tpu.memory_space<vmem>>, vector<16xf32>,
      %get3A_220 = arith.constant 0 : i32
      %get3A_221 = arith.index_cast %get3A_220 : i32 to index
      %get3A_222 = arith.index_cast %add3A_203 : i32 to index
      %get3A_223 = arith.constant 32 : index
      %get3A_224 = tpu.vector_load %arg8[%get3A_221, %get3A_222, %get3A_223] {strides = array<i32>} : memref<2x256x128xf32, #tpu.memory_space<vmem>>, vector<16xf32>,
      %swap3A_225 = arith.index_cast %add3A_203 : i32 to index
      %swap3A_226 = arith.constant 33 : index
      %swap3A_227 = tpu.vector_load %arg9[%swap3A_225, %swap3A_226] {strides = array<i32>} : memref<256x65xf32, #tpu.memory_space<vmem>>, vector<16xf32>,
      tpu.vector_store %arg9[%swap3A_225, %swap3A_226], %get3A_224 {strides = array<i32>} : memref<256x65xf32, #tpu.memory_space<vmem>>, vector<16xf32>,
      %get3A_228 = arith.constant 0 : i32
      %get3A_229 = arith.index_cast %get3A_228 : i32 to index
      %get3A_230 = arith.index_cast %add3A_203 : i32 to index
      %get3A_231 = arith.constant 48 : index
      %get3A_232 = tpu.vector_load %arg8[%get3A_229, %get3A_230, %get3A_231] {strides = array<i32>} : memref<2x256x128xf32, #tpu.memory_space<vmem>>, vector<16xf32>,
      %swap3A_233 = arith.index_cast %add3A_203 : i32 to index
      %swap3A_234 = arith.constant 49 : index
      %swap3A_235 = tpu.vector_load %arg9[%swap3A_233, %swap3A_234] {strides = array<i32>} : memref<256x65xf32, #tpu.memory_space<vmem>>, vector<16xf32>,
      tpu.vector_store %arg9[%swap3A_233, %swap3A_234], %get3A_232 {strides = array<i32>} : memref<256x65xf32, #tpu.memory_space<vmem>>, vector<16xf32>,
      %mul3A_236 = arith.constant 8 : i32
      %mul3A_237 = arith.muli %scan3A_93, %mul3A_236 : i32
      %add3A_238 = arith.constant 4 : i32
      %add3A_239 = arith.addi %mul3A_237, %add3A_238 : i32
      %get3A_240 = arith.constant 0 : i32
      %get3A_241 = arith.index_cast %get3A_240 : i32 to index
      %get3A_242 = arith.index_cast %add3A_239 : i32 to index
      %get3A_243 = arith.constant 0 : index
      %get3A_244 = tpu.vector_load %arg8[%get3A_241, %get3A_242, %get3A_243] {strides = array<i32>} : memref<2x256x128xf32, #tpu.memory_space<vmem>>, vector<16xf32>,
      %swap3A_245 = arith.index_cast %add3A_239 : i32 to index
      %swap3A_246 = arith.constant 1 : index
      %swap3A_247 = tpu.vector_load %arg9[%swap3A_245, %swap3A_246] {strides = array<i32>} : memref<256x65xf32, #tpu.memory_space<vmem>>, vector<16xf32>,
      tpu.vector_store %arg9[%swap3A_245, %swap3A_246], %get3A_244 {strides = array<i32>} : memref<256x65xf32, #tpu.memory_space<vmem>>, vector<16xf32>,
      %get3A_248 = arith.constant 0 : i32
      %get3A_249 = arith.index_cast %get3A_248 : i32 to index
      %get3A_250 = arith.index_cast %add3A_239 : i32 to index
      %get3A_251 = arith.constant 16 : index
      %get3A_252 = tpu.vector_load %arg8[%get3A_249, %get3A_250, %get3A_251] {strides = array<i32>} : memref<2x256x128xf32, #tpu.memory_space<vmem>>, vector<16xf32>,
      %swap3A_253 = arith.index_cast %add3A_239 : i32 to index
      %swap3A_254 = arith.constant 17 : index
      %swap3A_255 = tpu.vector_load %arg9[%swap3A_253, %swap3A_254] {strides = array<i32>} : memref<256x65xf32, #tpu.memory_space<vmem>>, vector<16xf32>,
      tpu.vector_store %arg9[%swap3A_253, %swap3A_254], %get3A_252 {strides = array<i32>} : memref<256x65xf32, #tpu.memory_space<vmem>>, vector<16xf32>,
      %get3A_256 = arith.constant 0 : i32
      %get3A_257 = arith.index_cast %get3A_256 : i32 to index
      %get3A_258 = arith.index_cast %add3A_239 : i32 to index
      %get3A_259 = arith.constant 32 : index
      %get3A_260 = tpu.vector_load %arg8[%get3A_257, %get3A_258, %get3A_259] {strides = array<i32>} : memref<2x256x128xf32, #tpu.memory_space<vmem>>, vector<16xf32>,
      %swap3A_261 = arith.index_cast %add3A_239 : i32 to index
      %swap3A_262 = arith.constant 33 : index
      %swap3A_263 = tpu.vector_load %arg9[%swap3A_261, %swap3A_262] {strides = array<i32>} : memref<256x65xf32, #tpu.memory_space<vmem>>, vector<16xf32>,
      tpu.vector_store %arg9[%swap3A_261, %swap3A_262], %get3A_260 {strides = array<i32>} : memref<256x65xf32, #tpu.memory_space<vmem>>, vector<16xf32>,
      %get3A_264 = arith.constant 0 : i32
      %get3A_265 = arith.index_cast %get3A_264 : i32 to index
      %get3A_266 = arith.index_cast %add3A_239 : i32 to index
      %get3A_267 = arith.constant 48 : index
      %get3A_268 = tpu.vector_load %arg8[%get3A_265, %get3A_266, %get3A_267] {strides = array<i32>} : memref<2x256x128xf32, #tpu.memory_space<vmem>>, vector<16xf32>,
      %swap3A_269 = arith.index_cast %add3A_239 : i32 to index
      %swap3A_270 = arith.constant 49 : index
      %swap3A_271 = tpu.vector_load %arg9[%swap3A_269, %swap3A_270] {strides = array<i32>} : memref<256x65xf32, #tpu.memory_space<vmem>>, vector<16xf32>,
      tpu.vector_store %arg9[%swap3A_269, %swap3A_270], %get3A_268 {strides = array<i32>} : memref<256x65xf32, #tpu.memory_space<vmem>>, vector<16xf32>,
      %mul3A_272 = arith.constant 8 : i32
      %mul3A_273 = arith.muli %scan3A_93, %mul3A_272 : i32
      %add3A_274 = arith.constant 5 : i32
      %add3A_275 = arith.addi %mul3A_273, %add3A_274 : i32
      %get3A_276 = arith.constant 0 : i32
      %get3A_277 = arith.index_cast %get3A_276 : i32 to index
      %get3A_278 = arith.index_cast %add3A_275 : i32 to index
      %get3A_279 = arith.constant 0 : index
      %get3A_280 = tpu.vector_load %arg8[%get3A_277, %get3A_278, %get3A_279] {strides = array<i32>} : memref<2x256x128xf32, #tpu.memory_space<vmem>>, vector<16xf32>,
      %swap3A_281 = arith.index_cast %add3A_275 : i32 to index
      %swap3A_282 = arith.constant 1 : index
      %swap3A_283 = tpu.vector_load %arg9[%swap3A_281, %swap3A_282] {strides = array<i32>} : memref<256x65xf32, #tpu.memory_space<vmem>>, vector<16xf32>,
      tpu.vector_store %arg9[%swap3A_281, %swap3A_282], %get3A_280 {strides = array<i32>} : memref<256x65xf32, #tpu.memory_space<vmem>>, vector<16xf32>,
      %get3A_284 = arith.constant 0 : i32
      %get3A_285 = arith.index_cast %get3A_284 : i32 to index
      %get3A_286 = arith.index_cast %add3A_275 : i32 to index
      %get3A_287 = arith.constant 16 : index
      %get3A_288 = tpu.vector_load %arg8[%get3A_285, %get3A_286, %get3A_287] {strides = array<i32>} : memref<2x256x128xf32, #tpu.memory_space<vmem>>, vector<16xf32>,
      %swap3A_289 = arith.index_cast %add3A_275 : i32 to index
      %swap3A_290 = arith.constant 17 : index
      %swap3A_291 = tpu.vector_load %arg9[%swap3A_289, %swap3A_290] {strides = array<i32>} : memref<256x65xf32, #tpu.memory_space<vmem>>, vector<16xf32>,
      tpu.vector_store %arg9[%swap3A_289, %swap3A_290], %get3A_288 {strides = array<i32>} : memref<256x65xf32, #tpu.memory_space<vmem>>, vector<16xf32>,
      %get3A_292 = arith.constant 0 : i32
      %get3A_293 = arith.index_cast %get3A_292 : i32 to index
      %get3A_294 = arith.index_cast %add3A_275 : i32 to index
      %get3A_295 = arith.constant 32 : index
      %get3A_296 = tpu.vector_load %arg8[%get3A_293, %get3A_294, %get3A_295] {strides = array<i32>} : memref<2x256x128xf32, #tpu.memory_space<vmem>>, vector<16xf32>,
      %swap3A_297 = arith.index_cast %add3A_275 : i32 to index
      %swap3A_298 = arith.constant 33 : index
      %swap3A_299 = tpu.vector_load %arg9[%swap3A_297, %swap3A_298] {strides = array<i32>} : memref<256x65xf32, #tpu.memory_space<vmem>>, vector<16xf32>,
      tpu.vector_store %arg9[%swap3A_297, %swap3A_298], %get3A_296 {strides = array<i32>} : memref<256x65xf32, #tpu.memory_space<vmem>>, vector<16xf32>,
      %get3A_300 = arith.constant 0 : i32
      %get3A_301 = arith.index_cast %get3A_300 : i32 to index
      %get3A_302 = arith.index_cast %add3A_275 : i32 to index
      %get3A_303 = arith.constant 48 : index
      %get3A_304 = tpu.vector_load %arg8[%get3A_301, %get3A_302, %get3A_303] {strides = array<i32>} : memref<2x256x128xf32, #tpu.memory_space<vmem>>, vector<16xf32>,
      %swap3A_305 = arith.index_cast %add3A_275 : i32 to index
      %swap3A_306 = arith.constant 49 : index
      %swap3A_307 = tpu.vector_load %arg9[%swap3A_305, %swap3A_306] {strides = array<i32>} : memref<256x65xf32, #tpu.memory_space<vmem>>, vector<16xf32>,
      tpu.vector_store %arg9[%swap3A_305, %swap3A_306], %get3A_304 {strides = array<i32>} : memref<256x65xf32, #tpu.memory_space<vmem>>, vector<16xf32>,
      %mul3A_308 = arith.constant 8 : i32
      %mul3A_309 = arith.muli %scan3A_93, %mul3A_308 : i32
      %add3A_310 = arith.constant 6 : i32
      %add3A_311 = arith.addi %mul3A_309, %add3A_310 : i32
      %get3A_312 = arith.constant 0 : i32
      %get3A_313 = arith.index_cast %get3A_312 : i32 to index
      %get3A_314 = arith.index_cast %add3A_311 : i32 to index
      %get3A_315 = arith.constant 0 : index
      %get3A_316 = tpu.vector_load %arg8[%get3A_313, %get3A_314, %get3A_315] {strides = array<i32>} : memref<2x256x128xf32, #tpu.memory_space<vmem>>, vector<16xf32>,
      %swap3A_317 = arith.index_cast %add3A_311 : i32 to index
      %swap3A_318 = arith.constant 1 : index
      %swap3A_319 = tpu.vector_load %arg9[%swap3A_317, %swap3A_318] {strides = array<i32>} : memref<256x65xf32, #tpu.memory_space<vmem>>, vector<16xf32>,
      tpu.vector_store %arg9[%swap3A_317, %swap3A_318], %get3A_316 {strides = array<i32>} : memref<256x65xf32, #tpu.memory_space<vmem>>, vector<16xf32>,
      %get3A_320 = arith.constant 0 : i32
      %get3A_321 = arith.index_cast %get3A_320 : i32 to index
      %get3A_322 = arith.index_cast %add3A_311 : i32 to index
      %get3A_323 = arith.constant 16 : index
      %get3A_324 = tpu.vector_load %arg8[%get3A_321, %get3A_322, %get3A_323] {strides = array<i32>} : memref<2x256x128xf32, #tpu.memory_space<vmem>>, vector<16xf32>,
      %swap3A_325 = arith.index_cast %add3A_311 : i32 to index
      %swap3A_326 = arith.constant 17 : index
      %swap3A_327 = tpu.vector_load %arg9[%swap3A_325, %swap3A_326] {strides = array<i32>} : memref<256x65xf32, #tpu.memory_space<vmem>>, vector<16xf32>,
      tpu.vector_store %arg9[%swap3A_325, %swap3A_326], %get3A_324 {strides = array<i32>} : memref<256x65xf32, #tpu.memory_space<vmem>>, vector<16xf32>,
      %get3A_328 = arith.constant 0 : i32
      %get3A_329 = arith.index_cast %get3A_328 : i32 to index
      %get3A_330 = arith.index_cast %add3A_311 : i32 to index
      %get3A_331 = arith.constant 32 : index
      %get3A_332 = tpu.vector_load %arg8[%get3A_329, %get3A_330, %get3A_331] {strides = array<i32>} : memref<2x256x128xf32, #tpu.memory_space<vmem>>, vector<16xf32>,
      %swap3A_333 = arith.index_cast %add3A_311 : i32 to index
      %swap3A_334 = arith.constant 33 : index
      %swap3A_335 = tpu.vector_load %arg9[%swap3A_333, %swap3A_334] {strides = array<i32>} : memref<256x65xf32, #tpu.memory_space<vmem>>, vector<16xf32>,
      tpu.vector_store %arg9[%swap3A_333, %swap3A_334], %get3A_332 {strides = array<i32>} : memref<256x65xf32, #tpu.memory_space<vmem>>, vector<16xf32>,
      %get3A_336 = arith.constant 0 : i32
      %get3A_337 = arith.index_cast %get3A_336 : i32 to index
      %get3A_338 = arith.index_cast %add3A_311 : i32 to index
      %get3A_339 = arith.constant 48 : index
      %get3A_340 = tpu.vector_load %arg8[%get3A_337, %get3A_338, %get3A_339] {strides = array<i32>} : memref<2x256x128xf32, #tpu.memory_space<vmem>>, vector<16xf32>,
      %swap3A_341 = arith.index_cast %add3A_311 : i32 to index
      %swap3A_342 = arith.constant 49 : index
      %swap3A_343 = tpu.vector_load %arg9[%swap3A_341, %swap3A_342] {strides = array<i32>} : memref<256x65xf32, #tpu.memory_space<vmem>>, vector<16xf32>,
      tpu.vector_store %arg9[%swap3A_341, %swap3A_342], %get3A_340 {strides = array<i32>} : memref<256x65xf32, #tpu.memory_space<vmem>>, vector<16xf32>,
      %mul3A_344 = arith.constant 8 : i32
      %mul3A_345 = arith.muli %scan3A_93, %mul3A_344 : i32
      %add3A_346 = arith.constant 7 : i32
      %add3A_347 = arith.addi %mul3A_345, %add3A_346 : i32
      %get3A_348 = arith.constant 0 : i32
      %get3A_349 = arith.index_cast %get3A_348 : i32 to index
      %get3A_350 = arith.index_cast %add3A_347 : i32 to index
      %get3A_351 = arith.constant 0 : index
      %get3A_352 = tpu.vector_load %arg8[%get3A_349, %get3A_350, %get3A_351] {strides = array<i32>} : memref<2x256x128xf32, #tpu.memory_space<vmem>>, vector<16xf32>,
      %swap3A_353 = arith.index_cast %add3A_347 : i32 to index
      %swap3A_354 = arith.constant 1 : index
      %swap3A_355 = tpu.vector_load %arg9[%swap3A_353, %swap3A_354] {strides = array<i32>} : memref<256x65xf32, #tpu.memory_space<vmem>>, vector<16xf32>,
      tpu.vector_store %arg9[%swap3A_353, %swap3A_354], %get3A_352 {strides = array<i32>} : memref<256x65xf32, #tpu.memory_space<vmem>>, vector<16xf32>,
      %get3A_356 = arith.constant 0 : i32
      %get3A_357 = arith.index_cast %get3A_356 : i32 to index
      %get3A_358 = arith.index_cast %add3A_347 : i32 to index
      %get3A_359 = arith.constant 16 : index
      %get3A_360 = tpu.vector_load %arg8[%get3A_357, %get3A_358, %get3A_359] {strides = array<i32>} : memref<2x256x128xf32, #tpu.memory_space<vmem>>, vector<16xf32>,
      %swap3A_361 = arith.index_cast %add3A_347 : i32 to index
      %swap3A_362 = arith.constant 17 : index
      %swap3A_363 = tpu.vector_load %arg9[%swap3A_361, %swap3A_362] {strides = array<i32>} : memref<256x65xf32, #tpu.memory_space<vmem>>, vector<16xf32>,
      tpu.vector_store %arg9[%swap3A_361, %swap3A_362], %get3A_360 {strides = array<i32>} : memref<256x65xf32, #tpu.memory_space<vmem>>, vector<16xf32>,
      %get3A_364 = arith.constant 0 : i32
      %get3A_365 = arith.index_cast %get3A_364 : i32 to index
      %get3A_366 = arith.index_cast %add3A_347 : i32 to index
      %get3A_367 = arith.constant 32 : index
      %get3A_368 = tpu.vector_load %arg8[%get3A_365, %get3A_366, %get3A_367] {strides = array<i32>} : memref<2x256x128xf32, #tpu.memory_space<vmem>>, vector<16xf32>,
      %swap3A_369 = arith.index_cast %add3A_347 : i32 to index
      %swap3A_370 = arith.constant 33 : index
      %swap3A_371 = tpu.vector_load %arg9[%swap3A_369, %swap3A_370] {strides = array<i32>} : memref<256x65xf32, #tpu.memory_space<vmem>>, vector<16xf32>,
      tpu.vector_store %arg9[%swap3A_369, %swap3A_370], %get3A_368 {strides = array<i32>} : memref<256x65xf32, #tpu.memory_space<vmem>>, vector<16xf32>,
      %get3A_372 = arith.constant 0 : i32
      %get3A_373 = arith.index_cast %get3A_372 : i32 to index
      %get3A_374 = arith.index_cast %add3A_347 : i32 to index
      %get3A_375 = arith.constant 48 : index
      %get3A_376 = tpu.vector_load %arg8[%get3A_373, %get3A_374, %get3A_375] {strides = array<i32>} : memref<2x256x128xf32, #tpu.memory_space<vmem>>, vector<16xf32>,
      %swap3A_377 = arith.index_cast %add3A_347 : i32 to index
      %swap3A_378 = arith.constant 49 : index
      %swap3A_379 = tpu.vector_load %arg9[%swap3A_377, %swap3A_378] {strides = array<i32>} : memref<256x65xf32, #tpu.memory_space<vmem>>, vector<16xf32>,
      tpu.vector_store %arg9[%swap3A_377, %swap3A_378], %get3A_376 {strides = array<i32>} : memref<256x65xf32, #tpu.memory_space<vmem>>, vector<16xf32>,
    }
    %scan3A_49 = arith.constant 32 : i32
    %broadcast_in_dim3A = arith.constant 0 : i32
    %broadcast_in_dim3A_50 = vector.broadcast %broadcast_in_dim3A : i32 to vector<16xi32>
    %scan3A_51 = arith.constant 0 : i32
    %scan3A_52 = arith.constant 0 : i32
    %scan3A_53 = arith.constant 16 : i32
    %scan3A_54 = arith.addi %scan3A_52, %scan3A_53 : i32
    %scan3A_55 = arith.constant 1 : i32
    scf.for %scan3A_93 = %scan3A_52 to %scan3A_54 step %scan3A_55  : i32 {
      %mul3A_94 = arith.constant 16 : i32
      %mul3A_95 = arith.muli %scan3A_93, %mul3A_94 : i32
      %add3A_96 = arith.constant 0 : i32
      %add3A_97 = arith.addi %add3A_96, %mul3A_95 : i32
      %get3A = arith.index_cast %add3A_97 : i32 to index
      %get3A_98 = tpu.vector_load %arg7[%get3A] {strides = array<i32>} : memref<512xf32, #tpu.memory_space<vmem>>, vector<16xf32>,
      %mul3A_99 = arith.constant 16 : i32
      %mul3A_100 = arith.muli %scan3A_93, %mul3A_99 : i32
      %add3A_101 = vector.broadcast %mul3A_100 : i32 to vector<16xi32>
      %add3A_102 = arith.addi %iota3A, %add3A_101 : vector<16xi32>
      tpu.vector_store_idx %arg9[%add3A_102, %broadcast_in_dim3A_50], %get3A_98 : memref<256x65xf32, #tpu.memory_space<vmem>>[vector<16xi32>, vector<16xi32>], vector<16xf32>,
    }
    %scan3A_56 = arith.constant 16 : i32
    %add3A_57 = arith.constant 0 : i32
    %add3A_58 = arith.addi %mul3A_2, %add3A_57 : i32
    "tpu.region"() ({
      %run_scoped3A = tpu.sem_alloc : memref<!tpu.dma_semaphore, #tpu.memory_space<semaphore_mem>>
      %dma_start3A_93 = arith.constant 0 : i32
      %dma_start3A_94 = tpu.memref_slice %arg5[%add3A_58, %dma_start3A_93] : memref<16384x65xf32, #tpu.memory_space<hbm>> -> memref<256x65xf32, #tpu.memory_space<hbm>>
      %dma_start3A_95 = arith.constant 0 : i32
      %dma_start3A_96 = tpu.memref_slice %arg5[%add3A_58, %dma_start3A_95] : memref<16384x65xf32, #tpu.memory_space<hbm>> -> memref<256x65xf32, #tpu.memory_space<hbm>>
      tpu.enqueue_dma source(%arg9 : memref<256x65xf32, #tpu.memory_space<vmem>>) target(%dma_start3A_96 : memref<256x65xf32, #tpu.memory_space<hbm>>) target_semaphore(%run_scoped3A : memref<!tpu.dma_semaphore, #tpu.memory_space<semaphore_mem>>)
      %dma_wait3A_97 = arith.constant 0 : i32
      %dma_wait3A_98 = tpu.memref_slice %arg5[%add3A_58, %dma_wait3A_97] : memref<16384x65xf32, #tpu.memory_space<hbm>> -> memref<256x65xf32, #tpu.memory_space<hbm>>
      %dma_wait3A_99 = arith.constant 0 : i32
      %dma_wait3A_100 = tpu.memref_slice %arg5[%add3A_58, %dma_wait3A_99] : memref<16384x65xf32, #tpu.memory_space<hbm>> -> memref<256x65xf32, #tpu.memory_space<hbm>>
      tpu.wait_dma2 semaphore(%run_scoped3A : memref<!tpu.dma_semaphore, #tpu.memory_space<semaphore_mem>>) src(%arg9 : memref<256x65xf32, #tpu.memory_space<vmem>>) dst(%dma_wait3A_100 : memref<256x65xf32, #tpu.memory_space<hbm>>)
      tpu.yield
    }) : () -> ()
    %dma_wait3A_59 = arith.constant 1 : i32
    %dma_wait3A_60 = arith.constant 1 : i32
    %dma_wait3A_61 = arith.constant 0 : i32
    %dma_wait3A_62 = arith.constant 0 : i32
    %dma_wait3A_63 = tpu.memref_slice %arg8[%dma_wait3A_59, %dma_wait3A_61, %dma_wait3A_62] : memref<2x256x128xf32, #tpu.memory_space<vmem>> -> memref<1x256x128xf32, #tpu.memory_space<vmem>>
    %dma_wait3A_64 = tpu.memref_squeeze %dma_wait3A_63 : memref<1x256x128xf32, #tpu.memory_space<vmem>> -> memref<256x128xf32, #tpu.memory_space<vmem>>
    %dma_wait3A_65 = arith.constant 0 : i32
    %dma_wait3A_66 = arith.constant 0 : i32
    %dma_wait3A_67 = tpu.memref_slice %arg4[%dma_wait3A_65, %dma_wait3A_66] : memref<100000x128xf32, #tpu.memory_space<hbm>> -> memref<256x128xf32, #tpu.memory_space<hbm>>
    %dma_wait3A_68 = tpu.memref_slice %arg10[%dma_wait3A_60] : memref<2x!tpu.dma_semaphore, #tpu.memory_space<semaphore_mem>> -> memref<1x!tpu.dma_semaphore, #tpu.memory_space<semaphore_mem>>
    %dma_wait3A_69 = tpu.memref_squeeze %dma_wait3A_68 : memref<1x!tpu.dma_semaphore, #tpu.memory_space<semaphore_mem>> -> memref<!tpu.dma_semaphore, #tpu.memory_space<semaphore_mem>>
    %dma_wait3A_70 = arith.constant 0 : i32
    %dma_wait3A_71 = arith.constant 0 : i32
    %dma_wait3A_72 = tpu.memref_slice %arg8[%dma_wait3A_59, %dma_wait3A_70, %dma_wait3A_71] : memref<2x256x128xf32, #tpu.memory_space<vmem>> -> memref<1x256x128xf32, #tpu.memory_space<vmem>>
    %dma_wait3A_73 = tpu.memref_squeeze %dma_wait3A_72 : memref<1x256x128xf32, #tpu.memory_space<vmem>> -> memref<256x128xf32, #tpu.memory_space<vmem>>
    %dma_wait3A_74 = arith.constant 0 : i32
    %dma_wait3A_75 = arith.constant 0 : i32
    %dma_wait3A_76 = tpu.memref_slice %arg4[%dma_wait3A_74, %dma_wait3A_75] : memref<100000x128xf32, #tpu.memory_space<hbm>> -> memref<256x128xf32, #tpu.memory_space<hbm>>
    tpu.wait_dma2 semaphore(%dma_wait3A_69 : memref<!tpu.dma_semaphore, #tpu.memory_space<semaphore_mem>>) src(%dma_wait3A_76 : memref<256x128xf32, #tpu.memory_space<hbm>>) dst(%dma_wait3A_73 : memref<256x128xf32, #tpu.memory_space<vmem>>)
    %scan3A_77 = arith.constant 0 : i32
    %scan3A_78 = arith.constant 0 : i32
    %scan3A_79 = arith.constant 32 : i32
    %scan3A_80 = arith.addi %scan3A_78, %scan3A_79 : i32
    %scan3A_81 = arith.constant 1 : i32
    scf.for %scan3A_93 = %scan3A_78 to %scan3A_80 step %scan3A_81  : i32 {
      %mul3A_94 = arith.constant 8 : i32
      %mul3A_95 = arith.muli %scan3A_93, %mul3A_94 : i32
      %add3A_96 = arith.constant 0 : i32
      %add3A_97 = arith.addi %mul3A_95, %add3A_96 : i32
      %get3A = arith.constant 1 : i32
      %get3A_98 = arith.index_cast %get3A : i32 to index
      %get3A_99 = arith.index_cast %add3A_97 : i32 to index
      %get3A_100 = arith.constant 0 : index
      %get3A_101 = tpu.vector_load %arg8[%get3A_98, %get3A_99, %get3A_100] {strides = array<i32>} : memref<2x256x128xf32, #tpu.memory_space<vmem>>, vector<16xf32>,
      %swap3A = arith.index_cast %add3A_97 : i32 to index
      %swap3A_102 = arith.constant 1 : index
      %swap3A_103 = tpu.vector_load %arg9[%swap3A, %swap3A_102] {strides = array<i32>} : memref<256x65xf32, #tpu.memory_space<vmem>>, vector<16xf32>,
      tpu.vector_store %arg9[%swap3A, %swap3A_102], %get3A_101 {strides = array<i32>} : memref<256x65xf32, #tpu.memory_space<vmem>>, vector<16xf32>,
      %get3A_104 = arith.constant 1 : i32
      %get3A_105 = arith.index_cast %get3A_104 : i32 to index
      %get3A_106 = arith.index_cast %add3A_97 : i32 to index
      %get3A_107 = arith.constant 16 : index
      %get3A_108 = tpu.vector_load %arg8[%get3A_105, %get3A_106, %get3A_107] {strides = array<i32>} : memref<2x256x128xf32, #tpu.memory_space<vmem>>, vector<16xf32>,
      %swap3A_109 = arith.index_cast %add3A_97 : i32 to index
      %swap3A_110 = arith.constant 17 : index
      %swap3A_111 = tpu.vector_load %arg9[%swap3A_109, %swap3A_110] {strides = array<i32>} : memref<256x65xf32, #tpu.memory_space<vmem>>, vector<16xf32>,
      tpu.vector_store %arg9[%swap3A_109, %swap3A_110], %get3A_108 {strides = array<i32>} : memref<256x65xf32, #tpu.memory_space<vmem>>, vector<16xf32>,
      %get3A_112 = arith.constant 1 : i32
      %get3A_113 = arith.index_cast %get3A_112 : i32 to index
      %get3A_114 = arith.index_cast %add3A_97 : i32 to index
      %get3A_115 = arith.constant 32 : index
      %get3A_116 = tpu.vector_load %arg8[%get3A_113, %get3A_114, %get3A_115] {strides = array<i32>} : memref<2x256x128xf32, #tpu.memory_space<vmem>>, vector<16xf32>,
      %swap3A_117 = arith.index_cast %add3A_97 : i32 to index
      %swap3A_118 = arith.constant 33 : index
      %swap3A_119 = tpu.vector_load %arg9[%swap3A_117, %swap3A_118] {strides = array<i32>} : memref<256x65xf32, #tpu.memory_space<vmem>>, vector<16xf32>,
      tpu.vector_store %arg9[%swap3A_117, %swap3A_118], %get3A_116 {strides = array<i32>} : memref<256x65xf32, #tpu.memory_space<vmem>>, vector<16xf32>,
      %get3A_120 = arith.constant 1 : i32
      %get3A_121 = arith.index_cast %get3A_120 : i32 to index
      %get3A_122 = arith.index_cast %add3A_97 : i32 to index
      %get3A_123 = arith.constant 48 : index
      %get3A_124 = tpu.vector_load %arg8[%get3A_121, %get3A_122, %get3A_123] {strides = array<i32>} : memref<2x256x128xf32, #tpu.memory_space<vmem>>, vector<16xf32>,
      %swap3A_125 = arith.index_cast %add3A_97 : i32 to index
      %swap3A_126 = arith.constant 49 : index
      %swap3A_127 = tpu.vector_load %arg9[%swap3A_125, %swap3A_126] {strides = array<i32>} : memref<256x65xf32, #tpu.memory_space<vmem>>, vector<16xf32>,
      tpu.vector_store %arg9[%swap3A_125, %swap3A_126], %get3A_124 {strides = array<i32>} : memref<256x65xf32, #tpu.memory_space<vmem>>, vector<16xf32>,
      %mul3A_128 = arith.constant 8 : i32
      %mul3A_129 = arith.muli %scan3A_93, %mul3A_128 : i32
      %add3A_130 = arith.constant 1 : i32
      %add3A_131 = arith.addi %mul3A_129, %add3A_130 : i32
      %get3A_132 = arith.constant 1 : i32
      %get3A_133 = arith.index_cast %get3A_132 : i32 to index
      %get3A_134 = arith.index_cast %add3A_131 : i32 to index
      %get3A_135 = arith.constant 0 : index
      %get3A_136 = tpu.vector_load %arg8[%get3A_133, %get3A_134, %get3A_135] {strides = array<i32>} : memref<2x256x128xf32, #tpu.memory_space<vmem>>, vector<16xf32>,
      %swap3A_137 = arith.index_cast %add3A_131 : i32 to index
      %swap3A_138 = arith.constant 1 : index
      %swap3A_139 = tpu.vector_load %arg9[%swap3A_137, %swap3A_138] {strides = array<i32>} : memref<256x65xf32, #tpu.memory_space<vmem>>, vector<16xf32>,
      tpu.vector_store %arg9[%swap3A_137, %swap3A_138], %get3A_136 {strides = array<i32>} : memref<256x65xf32, #tpu.memory_space<vmem>>, vector<16xf32>,
      %get3A_140 = arith.constant 1 : i32
      %get3A_141 = arith.index_cast %get3A_140 : i32 to index
      %get3A_142 = arith.index_cast %add3A_131 : i32 to index
      %get3A_143 = arith.constant 16 : index
      %get3A_144 = tpu.vector_load %arg8[%get3A_141, %get3A_142, %get3A_143] {strides = array<i32>} : memref<2x256x128xf32, #tpu.memory_space<vmem>>, vector<16xf32>,
      %swap3A_145 = arith.index_cast %add3A_131 : i32 to index
      %swap3A_146 = arith.constant 17 : index
      %swap3A_147 = tpu.vector_load %arg9[%swap3A_145, %swap3A_146] {strides = array<i32>} : memref<256x65xf32, #tpu.memory_space<vmem>>, vector<16xf32>,
      tpu.vector_store %arg9[%swap3A_145, %swap3A_146], %get3A_144 {strides = array<i32>} : memref<256x65xf32, #tpu.memory_space<vmem>>, vector<16xf32>,
      %get3A_148 = arith.constant 1 : i32
      %get3A_149 = arith.index_cast %get3A_148 : i32 to index
      %get3A_150 = arith.index_cast %add3A_131 : i32 to index
      %get3A_151 = arith.constant 32 : index
      %get3A_152 = tpu.vector_load %arg8[%get3A_149, %get3A_150, %get3A_151] {strides = array<i32>} : memref<2x256x128xf32, #tpu.memory_space<vmem>>, vector<16xf32>,
      %swap3A_153 = arith.index_cast %add3A_131 : i32 to index
      %swap3A_154 = arith.constant 33 : index
      %swap3A_155 = tpu.vector_load %arg9[%swap3A_153, %swap3A_154] {strides = array<i32>} : memref<256x65xf32, #tpu.memory_space<vmem>>, vector<16xf32>,
      tpu.vector_store %arg9[%swap3A_153, %swap3A_154], %get3A_152 {strides = array<i32>} : memref<256x65xf32, #tpu.memory_space<vmem>>, vector<16xf32>,
      %get3A_156 = arith.constant 1 : i32
      %get3A_157 = arith.index_cast %get3A_156 : i32 to index
      %get3A_158 = arith.index_cast %add3A_131 : i32 to index
      %get3A_159 = arith.constant 48 : index
      %get3A_160 = tpu.vector_load %arg8[%get3A_157, %get3A_158, %get3A_159] {strides = array<i32>} : memref<2x256x128xf32, #tpu.memory_space<vmem>>, vector<16xf32>,
      %swap3A_161 = arith.index_cast %add3A_131 : i32 to index
      %swap3A_162 = arith.constant 49 : index
      %swap3A_163 = tpu.vector_load %arg9[%swap3A_161, %swap3A_162] {strides = array<i32>} : memref<256x65xf32, #tpu.memory_space<vmem>>, vector<16xf32>,
      tpu.vector_store %arg9[%swap3A_161, %swap3A_162], %get3A_160 {strides = array<i32>} : memref<256x65xf32, #tpu.memory_space<vmem>>, vector<16xf32>,
      %mul3A_164 = arith.constant 8 : i32
      %mul3A_165 = arith.muli %scan3A_93, %mul3A_164 : i32
      %add3A_166 = arith.constant 2 : i32
      %add3A_167 = arith.addi %mul3A_165, %add3A_166 : i32
      %get3A_168 = arith.constant 1 : i32
      %get3A_169 = arith.index_cast %get3A_168 : i32 to index
      %get3A_170 = arith.index_cast %add3A_167 : i32 to index
      %get3A_171 = arith.constant 0 : index
      %get3A_172 = tpu.vector_load %arg8[%get3A_169, %get3A_170, %get3A_171] {strides = array<i32>} : memref<2x256x128xf32, #tpu.memory_space<vmem>>, vector<16xf32>,
      %swap3A_173 = arith.index_cast %add3A_167 : i32 to index
      %swap3A_174 = arith.constant 1 : index
      %swap3A_175 = tpu.vector_load %arg9[%swap3A_173, %swap3A_174] {strides = array<i32>} : memref<256x65xf32, #tpu.memory_space<vmem>>, vector<16xf32>,
      tpu.vector_store %arg9[%swap3A_173, %swap3A_174], %get3A_172 {strides = array<i32>} : memref<256x65xf32, #tpu.memory_space<vmem>>, vector<16xf32>,
      %get3A_176 = arith.constant 1 : i32
      %get3A_177 = arith.index_cast %get3A_176 : i32 to index
      %get3A_178 = arith.index_cast %add3A_167 : i32 to index
      %get3A_179 = arith.constant 16 : index
      %get3A_180 = tpu.vector_load %arg8[%get3A_177, %get3A_178, %get3A_179] {strides = array<i32>} : memref<2x256x128xf32, #tpu.memory_space<vmem>>, vector<16xf32>,
      %swap3A_181 = arith.index_cast %add3A_167 : i32 to index
      %swap3A_182 = arith.constant 17 : index
      %swap3A_183 = tpu.vector_load %arg9[%swap3A_181, %swap3A_182] {strides = array<i32>} : memref<256x65xf32, #tpu.memory_space<vmem>>, vector<16xf32>,
      tpu.vector_store %arg9[%swap3A_181, %swap3A_182], %get3A_180 {strides = array<i32>} : memref<256x65xf32, #tpu.memory_space<vmem>>, vector<16xf32>,
      %get3A_184 = arith.constant 1 : i32
      %get3A_185 = arith.index_cast %get3A_184 : i32 to index
      %get3A_186 = arith.index_cast %add3A_167 : i32 to index
      %get3A_187 = arith.constant 32 : index
      %get3A_188 = tpu.vector_load %arg8[%get3A_185, %get3A_186, %get3A_187] {strides = array<i32>} : memref<2x256x128xf32, #tpu.memory_space<vmem>>, vector<16xf32>,
      %swap3A_189 = arith.index_cast %add3A_167 : i32 to index
      %swap3A_190 = arith.constant 33 : index
      %swap3A_191 = tpu.vector_load %arg9[%swap3A_189, %swap3A_190] {strides = array<i32>} : memref<256x65xf32, #tpu.memory_space<vmem>>, vector<16xf32>,
      tpu.vector_store %arg9[%swap3A_189, %swap3A_190], %get3A_188 {strides = array<i32>} : memref<256x65xf32, #tpu.memory_space<vmem>>, vector<16xf32>,
      %get3A_192 = arith.constant 1 : i32
      %get3A_193 = arith.index_cast %get3A_192 : i32 to index
      %get3A_194 = arith.index_cast %add3A_167 : i32 to index
      %get3A_195 = arith.constant 48 : index
      %get3A_196 = tpu.vector_load %arg8[%get3A_193, %get3A_194, %get3A_195] {strides = array<i32>} : memref<2x256x128xf32, #tpu.memory_space<vmem>>, vector<16xf32>,
      %swap3A_197 = arith.index_cast %add3A_167 : i32 to index
      %swap3A_198 = arith.constant 49 : index
      %swap3A_199 = tpu.vector_load %arg9[%swap3A_197, %swap3A_198] {strides = array<i32>} : memref<256x65xf32, #tpu.memory_space<vmem>>, vector<16xf32>,
      tpu.vector_store %arg9[%swap3A_197, %swap3A_198], %get3A_196 {strides = array<i32>} : memref<256x65xf32, #tpu.memory_space<vmem>>, vector<16xf32>,
      %mul3A_200 = arith.constant 8 : i32
      %mul3A_201 = arith.muli %scan3A_93, %mul3A_200 : i32
      %add3A_202 = arith.constant 3 : i32
      %add3A_203 = arith.addi %mul3A_201, %add3A_202 : i32
      %get3A_204 = arith.constant 1 : i32
      %get3A_205 = arith.index_cast %get3A_204 : i32 to index
      %get3A_206 = arith.index_cast %add3A_203 : i32 to index
      %get3A_207 = arith.constant 0 : index
      %get3A_208 = tpu.vector_load %arg8[%get3A_205, %get3A_206, %get3A_207] {strides = array<i32>} : memref<2x256x128xf32, #tpu.memory_space<vmem>>, vector<16xf32>,
      %swap3A_209 = arith.index_cast %add3A_203 : i32 to index
      %swap3A_210 = arith.constant 1 : index
      %swap3A_211 = tpu.vector_load %arg9[%swap3A_209, %swap3A_210] {strides = array<i32>} : memref<256x65xf32, #tpu.memory_space<vmem>>, vector<16xf32>,
      tpu.vector_store %arg9[%swap3A_209, %swap3A_210], %get3A_208 {strides = array<i32>} : memref<256x65xf32, #tpu.memory_space<vmem>>, vector<16xf32>,
      %get3A_212 = arith.constant 1 : i32
      %get3A_213 = arith.index_cast %get3A_212 : i32 to index
      %get3A_214 = arith.index_cast %add3A_203 : i32 to index
      %get3A_215 = arith.constant 16 : index
      %get3A_216 = tpu.vector_load %arg8[%get3A_213, %get3A_214, %get3A_215] {strides = array<i32>} : memref<2x256x128xf32, #tpu.memory_space<vmem>>, vector<16xf32>,
      %swap3A_217 = arith.index_cast %add3A_203 : i32 to index
      %swap3A_218 = arith.constant 17 : index
      %swap3A_219 = tpu.vector_load %arg9[%swap3A_217, %swap3A_218] {strides = array<i32>} : memref<256x65xf32, #tpu.memory_space<vmem>>, vector<16xf32>,
      tpu.vector_store %arg9[%swap3A_217, %swap3A_218], %get3A_216 {strides = array<i32>} : memref<256x65xf32, #tpu.memory_space<vmem>>, vector<16xf32>,
      %get3A_220 = arith.constant 1 : i32
      %get3A_221 = arith.index_cast %get3A_220 : i32 to index
      %get3A_222 = arith.index_cast %add3A_203 : i32 to index
      %get3A_223 = arith.constant 32 : index
      %get3A_224 = tpu.vector_load %arg8[%get3A_221, %get3A_222, %get3A_223] {strides = array<i32>} : memref<2x256x128xf32, #tpu.memory_space<vmem>>, vector<16xf32>,
      %swap3A_225 = arith.index_cast %add3A_203 : i32 to index
      %swap3A_226 = arith.constant 33 : index
      %swap3A_227 = tpu.vector_load %arg9[%swap3A_225, %swap3A_226] {strides = array<i32>} : memref<256x65xf32, #tpu.memory_space<vmem>>, vector<16xf32>,
      tpu.vector_store %arg9[%swap3A_225, %swap3A_226], %get3A_224 {strides = array<i32>} : memref<256x65xf32, #tpu.memory_space<vmem>>, vector<16xf32>,
      %get3A_228 = arith.constant 1 : i32
      %get3A_229 = arith.index_cast %get3A_228 : i32 to index
      %get3A_230 = arith.index_cast %add3A_203 : i32 to index
      %get3A_231 = arith.constant 48 : index
      %get3A_232 = tpu.vector_load %arg8[%get3A_229, %get3A_230, %get3A_231] {strides = array<i32>} : memref<2x256x128xf32, #tpu.memory_space<vmem>>, vector<16xf32>,
      %swap3A_233 = arith.index_cast %add3A_203 : i32 to index
      %swap3A_234 = arith.constant 49 : index
      %swap3A_235 = tpu.vector_load %arg9[%swap3A_233, %swap3A_234] {strides = array<i32>} : memref<256x65xf32, #tpu.memory_space<vmem>>, vector<16xf32>,
      tpu.vector_store %arg9[%swap3A_233, %swap3A_234], %get3A_232 {strides = array<i32>} : memref<256x65xf32, #tpu.memory_space<vmem>>, vector<16xf32>,
      %mul3A_236 = arith.constant 8 : i32
      %mul3A_237 = arith.muli %scan3A_93, %mul3A_236 : i32
      %add3A_238 = arith.constant 4 : i32
      %add3A_239 = arith.addi %mul3A_237, %add3A_238 : i32
      %get3A_240 = arith.constant 1 : i32
      %get3A_241 = arith.index_cast %get3A_240 : i32 to index
      %get3A_242 = arith.index_cast %add3A_239 : i32 to index
      %get3A_243 = arith.constant 0 : index
      %get3A_244 = tpu.vector_load %arg8[%get3A_241, %get3A_242, %get3A_243] {strides = array<i32>} : memref<2x256x128xf32, #tpu.memory_space<vmem>>, vector<16xf32>,
      %swap3A_245 = arith.index_cast %add3A_239 : i32 to index
      %swap3A_246 = arith.constant 1 : index
      %swap3A_247 = tpu.vector_load %arg9[%swap3A_245, %swap3A_246] {strides = array<i32>} : memref<256x65xf32, #tpu.memory_space<vmem>>, vector<16xf32>,
      tpu.vector_store %arg9[%swap3A_245, %swap3A_246], %get3A_244 {strides = array<i32>} : memref<256x65xf32, #tpu.memory_space<vmem>>, vector<16xf32>,
      %get3A_248 = arith.constant 1 : i32
      %get3A_249 = arith.index_cast %get3A_248 : i32 to index
      %get3A_250 = arith.index_cast %add3A_239 : i32 to index
      %get3A_251 = arith.constant 16 : index
      %get3A_252 = tpu.vector_load %arg8[%get3A_249, %get3A_250, %get3A_251] {strides = array<i32>} : memref<2x256x128xf32, #tpu.memory_space<vmem>>, vector<16xf32>,
      %swap3A_253 = arith.index_cast %add3A_239 : i32 to index
      %swap3A_254 = arith.constant 17 : index
      %swap3A_255 = tpu.vector_load %arg9[%swap3A_253, %swap3A_254] {strides = array<i32>} : memref<256x65xf32, #tpu.memory_space<vmem>>, vector<16xf32>,
      tpu.vector_store %arg9[%swap3A_253, %swap3A_254], %get3A_252 {strides = array<i32>} : memref<256x65xf32, #tpu.memory_space<vmem>>, vector<16xf32>,
      %get3A_256 = arith.constant 1 : i32
      %get3A_257 = arith.index_cast %get3A_256 : i32 to index
      %get3A_258 = arith.index_cast %add3A_239 : i32 to index
      %get3A_259 = arith.constant 32 : index
      %get3A_260 = tpu.vector_load %arg8[%get3A_257, %get3A_258, %get3A_259] {strides = array<i32>} : memref<2x256x128xf32, #tpu.memory_space<vmem>>, vector<16xf32>,
      %swap3A_261 = arith.index_cast %add3A_239 : i32 to index
      %swap3A_262 = arith.constant 33 : index
      %swap3A_263 = tpu.vector_load %arg9[%swap3A_261, %swap3A_262] {strides = array<i32>} : memref<256x65xf32, #tpu.memory_space<vmem>>, vector<16xf32>,
      tpu.vector_store %arg9[%swap3A_261, %swap3A_262], %get3A_260 {strides = array<i32>} : memref<256x65xf32, #tpu.memory_space<vmem>>, vector<16xf32>,
      %get3A_264 = arith.constant 1 : i32
      %get3A_265 = arith.index_cast %get3A_264 : i32 to index
      %get3A_266 = arith.index_cast %add3A_239 : i32 to index
      %get3A_267 = arith.constant 48 : index
      %get3A_268 = tpu.vector_load %arg8[%get3A_265, %get3A_266, %get3A_267] {strides = array<i32>} : memref<2x256x128xf32, #tpu.memory_space<vmem>>, vector<16xf32>,
      %swap3A_269 = arith.index_cast %add3A_239 : i32 to index
      %swap3A_270 = arith.constant 49 : index
      %swap3A_271 = tpu.vector_load %arg9[%swap3A_269, %swap3A_270] {strides = array<i32>} : memref<256x65xf32, #tpu.memory_space<vmem>>, vector<16xf32>,
      tpu.vector_store %arg9[%swap3A_269, %swap3A_270], %get3A_268 {strides = array<i32>} : memref<256x65xf32, #tpu.memory_space<vmem>>, vector<16xf32>,
      %mul3A_272 = arith.constant 8 : i32
      %mul3A_273 = arith.muli %scan3A_93, %mul3A_272 : i32
      %add3A_274 = arith.constant 5 : i32
      %add3A_275 = arith.addi %mul3A_273, %add3A_274 : i32
      %get3A_276 = arith.constant 1 : i32
      %get3A_277 = arith.index_cast %get3A_276 : i32 to index
      %get3A_278 = arith.index_cast %add3A_275 : i32 to index
      %get3A_279 = arith.constant 0 : index
      %get3A_280 = tpu.vector_load %arg8[%get3A_277, %get3A_278, %get3A_279] {strides = array<i32>} : memref<2x256x128xf32, #tpu.memory_space<vmem>>, vector<16xf32>,
      %swap3A_281 = arith.index_cast %add3A_275 : i32 to index
      %swap3A_282 = arith.constant 1 : index
      %swap3A_283 = tpu.vector_load %arg9[%swap3A_281, %swap3A_282] {strides = array<i32>} : memref<256x65xf32, #tpu.memory_space<vmem>>, vector<16xf32>,
      tpu.vector_store %arg9[%swap3A_281, %swap3A_282], %get3A_280 {strides = array<i32>} : memref<256x65xf32, #tpu.memory_space<vmem>>, vector<16xf32>,
      %get3A_284 = arith.constant 1 : i32
      %get3A_285 = arith.index_cast %get3A_284 : i32 to index
      %get3A_286 = arith.index_cast %add3A_275 : i32 to index
      %get3A_287 = arith.constant 16 : index
      %get3A_288 = tpu.vector_load %arg8[%get3A_285, %get3A_286, %get3A_287] {strides = array<i32>} : memref<2x256x128xf32, #tpu.memory_space<vmem>>, vector<16xf32>,
      %swap3A_289 = arith.index_cast %add3A_275 : i32 to index
      %swap3A_290 = arith.constant 17 : index
      %swap3A_291 = tpu.vector_load %arg9[%swap3A_289, %swap3A_290] {strides = array<i32>} : memref<256x65xf32, #tpu.memory_space<vmem>>, vector<16xf32>,
      tpu.vector_store %arg9[%swap3A_289, %swap3A_290], %get3A_288 {strides = array<i32>} : memref<256x65xf32, #tpu.memory_space<vmem>>, vector<16xf32>,
      %get3A_292 = arith.constant 1 : i32
      %get3A_293 = arith.index_cast %get3A_292 : i32 to index
      %get3A_294 = arith.index_cast %add3A_275 : i32 to index
      %get3A_295 = arith.constant 32 : index
      %get3A_296 = tpu.vector_load %arg8[%get3A_293, %get3A_294, %get3A_295] {strides = array<i32>} : memref<2x256x128xf32, #tpu.memory_space<vmem>>, vector<16xf32>,
      %swap3A_297 = arith.index_cast %add3A_275 : i32 to index
      %swap3A_298 = arith.constant 33 : index
      %swap3A_299 = tpu.vector_load %arg9[%swap3A_297, %swap3A_298] {strides = array<i32>} : memref<256x65xf32, #tpu.memory_space<vmem>>, vector<16xf32>,
      tpu.vector_store %arg9[%swap3A_297, %swap3A_298], %get3A_296 {strides = array<i32>} : memref<256x65xf32, #tpu.memory_space<vmem>>, vector<16xf32>,
      %get3A_300 = arith.constant 1 : i32
      %get3A_301 = arith.index_cast %get3A_300 : i32 to index
      %get3A_302 = arith.index_cast %add3A_275 : i32 to index
      %get3A_303 = arith.constant 48 : index
      %get3A_304 = tpu.vector_load %arg8[%get3A_301, %get3A_302, %get3A_303] {strides = array<i32>} : memref<2x256x128xf32, #tpu.memory_space<vmem>>, vector<16xf32>,
      %swap3A_305 = arith.index_cast %add3A_275 : i32 to index
      %swap3A_306 = arith.constant 49 : index
      %swap3A_307 = tpu.vector_load %arg9[%swap3A_305, %swap3A_306] {strides = array<i32>} : memref<256x65xf32, #tpu.memory_space<vmem>>, vector<16xf32>,
      tpu.vector_store %arg9[%swap3A_305, %swap3A_306], %get3A_304 {strides = array<i32>} : memref<256x65xf32, #tpu.memory_space<vmem>>, vector<16xf32>,
      %mul3A_308 = arith.constant 8 : i32
      %mul3A_309 = arith.muli %scan3A_93, %mul3A_308 : i32
      %add3A_310 = arith.constant 6 : i32
      %add3A_311 = arith.addi %mul3A_309, %add3A_310 : i32
      %get3A_312 = arith.constant 1 : i32
      %get3A_313 = arith.index_cast %get3A_312 : i32 to index
      %get3A_314 = arith.index_cast %add3A_311 : i32 to index
      %get3A_315 = arith.constant 0 : index
      %get3A_316 = tpu.vector_load %arg8[%get3A_313, %get3A_314, %get3A_315] {strides = array<i32>} : memref<2x256x128xf32, #tpu.memory_space<vmem>>, vector<16xf32>,
      %swap3A_317 = arith.index_cast %add3A_311 : i32 to index
      %swap3A_318 = arith.constant 1 : index
      %swap3A_319 = tpu.vector_load %arg9[%swap3A_317, %swap3A_318] {strides = array<i32>} : memref<256x65xf32, #tpu.memory_space<vmem>>, vector<16xf32>,
      tpu.vector_store %arg9[%swap3A_317, %swap3A_318], %get3A_316 {strides = array<i32>} : memref<256x65xf32, #tpu.memory_space<vmem>>, vector<16xf32>,
      %get3A_320 = arith.constant 1 : i32
      %get3A_321 = arith.index_cast %get3A_320 : i32 to index
      %get3A_322 = arith.index_cast %add3A_311 : i32 to index
      %get3A_323 = arith.constant 16 : index
      %get3A_324 = tpu.vector_load %arg8[%get3A_321, %get3A_322, %get3A_323] {strides = array<i32>} : memref<2x256x128xf32, #tpu.memory_space<vmem>>, vector<16xf32>,
      %swap3A_325 = arith.index_cast %add3A_311 : i32 to index
      %swap3A_326 = arith.constant 17 : index
      %swap3A_327 = tpu.vector_load %arg9[%swap3A_325, %swap3A_326] {strides = array<i32>} : memref<256x65xf32, #tpu.memory_space<vmem>>, vector<16xf32>,
      tpu.vector_store %arg9[%swap3A_325, %swap3A_326], %get3A_324 {strides = array<i32>} : memref<256x65xf32, #tpu.memory_space<vmem>>, vector<16xf32>,
      %get3A_328 = arith.constant 1 : i32
      %get3A_329 = arith.index_cast %get3A_328 : i32 to index
      %get3A_330 = arith.index_cast %add3A_311 : i32 to index
      %get3A_331 = arith.constant 32 : index
      %get3A_332 = tpu.vector_load %arg8[%get3A_329, %get3A_330, %get3A_331] {strides = array<i32>} : memref<2x256x128xf32, #tpu.memory_space<vmem>>, vector<16xf32>,
      %swap3A_333 = arith.index_cast %add3A_311 : i32 to index
      %swap3A_334 = arith.constant 33 : index
      %swap3A_335 = tpu.vector_load %arg9[%swap3A_333, %swap3A_334] {strides = array<i32>} : memref<256x65xf32, #tpu.memory_space<vmem>>, vector<16xf32>,
      tpu.vector_store %arg9[%swap3A_333, %swap3A_334], %get3A_332 {strides = array<i32>} : memref<256x65xf32, #tpu.memory_space<vmem>>, vector<16xf32>,
      %get3A_336 = arith.constant 1 : i32
      %get3A_337 = arith.index_cast %get3A_336 : i32 to index
      %get3A_338 = arith.index_cast %add3A_311 : i32 to index
      %get3A_339 = arith.constant 48 : index
      %get3A_340 = tpu.vector_load %arg8[%get3A_337, %get3A_338, %get3A_339] {strides = array<i32>} : memref<2x256x128xf32, #tpu.memory_space<vmem>>, vector<16xf32>,
      %swap3A_341 = arith.index_cast %add3A_311 : i32 to index
      %swap3A_342 = arith.constant 49 : index
      %swap3A_343 = tpu.vector_load %arg9[%swap3A_341, %swap3A_342] {strides = array<i32>} : memref<256x65xf32, #tpu.memory_space<vmem>>, vector<16xf32>,
      tpu.vector_store %arg9[%swap3A_341, %swap3A_342], %get3A_340 {strides = array<i32>} : memref<256x65xf32, #tpu.memory_space<vmem>>, vector<16xf32>,
      %mul3A_344 = arith.constant 8 : i32
      %mul3A_345 = arith.muli %scan3A_93, %mul3A_344 : i32
      %add3A_346 = arith.constant 7 : i32
      %add3A_347 = arith.addi %mul3A_345, %add3A_346 : i32
      %get3A_348 = arith.constant 1 : i32
      %get3A_349 = arith.index_cast %get3A_348 : i32 to index
      %get3A_350 = arith.index_cast %add3A_347 : i32 to index
      %get3A_351 = arith.constant 0 : index
      %get3A_352 = tpu.vector_load %arg8[%get3A_349, %get3A_350, %get3A_351] {strides = array<i32>} : memref<2x256x128xf32, #tpu.memory_space<vmem>>, vector<16xf32>,
      %swap3A_353 = arith.index_cast %add3A_347 : i32 to index
      %swap3A_354 = arith.constant 1 : index
      %swap3A_355 = tpu.vector_load %arg9[%swap3A_353, %swap3A_354] {strides = array<i32>} : memref<256x65xf32, #tpu.memory_space<vmem>>, vector<16xf32>,
      tpu.vector_store %arg9[%swap3A_353, %swap3A_354], %get3A_352 {strides = array<i32>} : memref<256x65xf32, #tpu.memory_space<vmem>>, vector<16xf32>,
      %get3A_356 = arith.constant 1 : i32
      %get3A_357 = arith.index_cast %get3A_356 : i32 to index
      %get3A_358 = arith.index_cast %add3A_347 : i32 to index
      %get3A_359 = arith.constant 16 : index
      %get3A_360 = tpu.vector_load %arg8[%get3A_357, %get3A_358, %get3A_359] {strides = array<i32>} : memref<2x256x128xf32, #tpu.memory_space<vmem>>, vector<16xf32>,
      %swap3A_361 = arith.index_cast %add3A_347 : i32 to index
      %swap3A_362 = arith.constant 17 : index
      %swap3A_363 = tpu.vector_load %arg9[%swap3A_361, %swap3A_362] {strides = array<i32>} : memref<256x65xf32, #tpu.memory_space<vmem>>, vector<16xf32>,
      tpu.vector_store %arg9[%swap3A_361, %swap3A_362], %get3A_360 {strides = array<i32>} : memref<256x65xf32, #tpu.memory_space<vmem>>, vector<16xf32>,
      %get3A_364 = arith.constant 1 : i32
      %get3A_365 = arith.index_cast %get3A_364 : i32 to index
      %get3A_366 = arith.index_cast %add3A_347 : i32 to index
      %get3A_367 = arith.constant 32 : index
      %get3A_368 = tpu.vector_load %arg8[%get3A_365, %get3A_366, %get3A_367] {strides = array<i32>} : memref<2x256x128xf32, #tpu.memory_space<vmem>>, vector<16xf32>,
      %swap3A_369 = arith.index_cast %add3A_347 : i32 to index
      %swap3A_370 = arith.constant 33 : index
      %swap3A_371 = tpu.vector_load %arg9[%swap3A_369, %swap3A_370] {strides = array<i32>} : memref<256x65xf32, #tpu.memory_space<vmem>>, vector<16xf32>,
      tpu.vector_store %arg9[%swap3A_369, %swap3A_370], %get3A_368 {strides = array<i32>} : memref<256x65xf32, #tpu.memory_space<vmem>>, vector<16xf32>,
      %get3A_372 = arith.constant 1 : i32
      %get3A_373 = arith.index_cast %get3A_372 : i32 to index
      %get3A_374 = arith.index_cast %add3A_347 : i32 to index
      %get3A_375 = arith.constant 48 : index
      %get3A_376 = tpu.vector_load %arg8[%get3A_373, %get3A_374, %get3A_375] {strides = array<i32>} : memref<2x256x128xf32, #tpu.memory_space<vmem>>, vector<16xf32>,
      %swap3A_377 = arith.index_cast %add3A_347 : i32 to index
      %swap3A_378 = arith.constant 49 : index
      %swap3A_379 = tpu.vector_load %arg9[%swap3A_377, %swap3A_378] {strides = array<i32>} : memref<256x65xf32, #tpu.memory_space<vmem>>, vector<16xf32>,
      tpu.vector_store %arg9[%swap3A_377, %swap3A_378], %get3A_376 {strides = array<i32>} : memref<256x65xf32, #tpu.memory_space<vmem>>, vector<16xf32>,
    }
    %scan3A_82 = arith.constant 32 : i32
    %broadcast_in_dim3A_83 = arith.constant 0 : i32
    %broadcast_in_dim3A_84 = vector.broadcast %broadcast_in_dim3A_83 : i32 to vector<16xi32>
    %scan3A_85 = arith.constant 0 : i32
    %scan3A_86 = arith.constant 0 : i32
    %scan3A_87 = arith.constant 16 : i32
    %scan3A_88 = arith.addi %scan3A_86, %scan3A_87 : i32
    %scan3A_89 = arith.constant 1 : i32
    scf.for %scan3A_93 = %scan3A_86 to %scan3A_88 step %scan3A_89  : i32 {
      %mul3A_94 = arith.constant 16 : i32
      %mul3A_95 = arith.muli %scan3A_93, %mul3A_94 : i32
      %add3A_96 = arith.constant 256 : i32
      %add3A_97 = arith.addi %add3A_96, %mul3A_95 : i32
      %get3A = arith.index_cast %add3A_97 : i32 to index
      %get3A_98 = tpu.vector_load %arg7[%get3A] {strides = array<i32>} : memref<512xf32, #tpu.memory_space<vmem>>, vector<16xf32>,
      %mul3A_99 = arith.constant 16 : i32
      %mul3A_100 = arith.muli %scan3A_93, %mul3A_99 : i32
      %add3A_101 = vector.broadcast %mul3A_100 : i32 to vector<16xi32>
      %add3A_102 = arith.addi %iota3A, %add3A_101 : vector<16xi32>
      tpu.vector_store_idx %arg9[%add3A_102, %broadcast_in_dim3A_84], %get3A_98 : memref<256x65xf32, #tpu.memory_space<vmem>>[vector<16xi32>, vector<16xi32>], vector<16xf32>,
    }
    %scan3A_90 = arith.constant 16 : i32
    %add3A_91 = arith.constant 256 : i32
    %add3A_92 = arith.addi %mul3A_2, %add3A_91 : i32
    "tpu.region"() ({
      %run_scoped3A = tpu.sem_alloc : memref<!tpu.dma_semaphore, #tpu.memory_space<semaphore_mem>>
      %dma_start3A_93 = arith.constant 0 : i32
      %dma_start3A_94 = tpu.memref_slice %arg5[%add3A_92, %dma_start3A_93] : memref<16384x65xf32, #tpu.memory_space<hbm>> -> memref<256x65xf32, #tpu.memory_space<hbm>>
      %dma_start3A_95 = arith.constant 0 : i32
      %dma_start3A_96 = tpu.memref_slice %arg5[%add3A_92, %dma_start3A_95] : memref<16384x65xf32, #tpu.memory_space<hbm>> -> memref<256x65xf32, #tpu.memory_space<hbm>>
      tpu.enqueue_dma source(%arg9 : memref<256x65xf32, #tpu.memory_space<vmem>>) target(%dma_start3A_96 : memref<256x65xf32, #tpu.memory_space<hbm>>) target_semaphore(%run_scoped3A : memref<!tpu.dma_semaphore, #tpu.memory_space<semaphore_mem>>)
      %dma_wait3A_97 = arith.constant 0 : i32
      %dma_wait3A_98 = tpu.memref_slice %arg5[%add3A_92, %dma_wait3A_97] : memref<16384x65xf32, #tpu.memory_space<hbm>> -> memref<256x65xf32, #tpu.memory_space<hbm>>
      %dma_wait3A_99 = arith.constant 0 : i32
      %dma_wait3A_100 = tpu.memref_slice %arg5[%add3A_92, %dma_wait3A_99] : memref<16384x65xf32, #tpu.memory_space<hbm>> -> memref<256x65xf32, #tpu.memory_space<hbm>>
      tpu.wait_dma2 semaphore(%run_scoped3A : memref<!tpu.dma_semaphore, #tpu.memory_space<semaphore_mem>>) src(%arg9 : memref<256x65xf32, #tpu.memory_space<vmem>>) dst(%dma_wait3A_100 : memref<256x65xf32, #tpu.memory_space<hbm>>)
      tpu.yield
    }) : () -> ()
    return
  }
}

</mosaic_0001>

<sc_bundles>
// kernel: kernel.3.cloned.1.call-start
scs
__scs_entry_jumppad:
0x0: {  	(pc) =	sbr.rel $0x88, $3  }
0x1: {  	(tag) =	ssettag $0x0;
	lr =	simm.s32 $0x1  }
0x2: {  	[smem:$0x3F9E] =	sst lr;
	_ =	strace $0xD0000000  }
0x3: {  	_ = 	snop  }
0x4: {  	_ = 	snop  }
0x5: {  	_ = 	snop  }
0x6: {  	_ = 	snop  }
0x7: {  	_ = 	snop  }
__scs_overlays_trampoline_lowered:
0x8: {  	[smem:$0x3FAD] =	sst s0  }
0x9: {  	[smem:$0x3FAE] =	sst s1  }
0xa: {  	[smem:$0x3FAF] =	sst s2  }
0xb: {  	[smem:$0x3FB0] =	sst s3  }
0xc: {  	[smem:$0x3FB1] =	sst s4  }
0xd: {  	[smem:$0x3FB2] =	sst s5  }
0xe: {  	[smem:$0x3FB3] =	sst s6  }
0xf: {  	[smem:$0x3FB4] =	sst s7  }
0x10: {  	[smem:$0x3FB5] =	sst s8  }
0x11: {  	[smem:$0x3FB6] =	sst s9;
	s0 =	simm.s32 @!p0 $0x0  }
0x12: {  	s1 =	sld [smem:$0x3F9C];
	s0 =	simm.s32 @p0 $0x1  }
0x13: {  	[smem:$0x3FB7] =	sst s0;
	s0 =	simm.s32 @!p1 $0x0  }
0x14: {  	s2 =	sld [smem:$0x3F9B];
	s0 =	simm.s32 @p1 $0x1  }
0x15: {  	[smem:$0x3FB8] =	sst s0;
	s0 =	simm.s32 @!p2 $0x0  }
0x16: {  	s3 =	sld [smem:$0x3FDB];
	s0 =	simm.s32 @p2 $0x1  }
0x17: {  	s4 =	simm.s32 $0x1BF5;
	[smem:$0x3FBA] =	sst s0  }
0x18: {  	s0 =	sld [smem:$0x3F9D];
	_ =	swait.ge [sflag:s4], $0x0  }
0x19: {  	s7 =	sld [smem:$0x3F9E]  }
0x1a: {  	s8 =	sadd.s32 $0xFFFFE003, lr  }
0x1b: {  	s9 =	sadd.s32 $0xFFFFFEF7, lr;
	s5 =	simm.s32 $0xFFFFFFFF;
	p2 =	slt.u32 s8, $0xFFFFF086  }
0x1c: {  	p1 =	slt.u32 s9, $0xF7A;
	s5 =	simm.s32 @!p2 $0x0  }
0x1d: {  	s5 =	simm.s32 @p1 $0x1;
	p0 =	seq.s32 s7, s2  }
0x1e: {  	s7 =	smul.u32 @!p0 $0xF7A, s2;
	p2 =	seq.s32 @!p0 s5, $0x0  }
0x1f: {  	s9 =	smul.u32 $0xF7A, s1;
	s8 =	simm.s32 @!p0 $0x1BF5;
	p2 =	por !p2, p0  }
0x20: {  	[sflag:s8] =	ssyncset.s32 @!p0 $0xFFFFF086;
	s6 =	sadd.s32 @!p0 s3, s7;
	s7 =	simm.s32 @!p0 $0x108  }
0x21: {  	s3 =	sadd.s32 s3, s9;
	s6 =	sadd.s32 @!p0 $0x88, s6;
	s7 =	simm.s32 @p2 $0x1082  }
0x22: {  	[simem:s7], [sflag:s8] =	dma.local @!p0 [hbm:s6], $0xF7A  }
0x23: {  	s9 =	sor.u32 $0xD0000000, s2;
	s6 =	simm.s32 $0x108;
	_ =	swait.ge @!p0 [sflag:s8], $0x0  }
0x24: {  	s3 =	sadd.s32 $0x88, s3;
	s6 =	simm.s32 @!p1 $0x1082;
	[sflag:s4] =	ssyncset.s32 $0xFFFFF086  }
0x25: {  	[simem:s6], [sflag:s4] =	dma.local [hbm:s3], $0xF7A  }
0x26: {  	[smem:$0x3F9E] =	sst s1;
	(tag) =	ssettag s2;
	_ =	strace s9  }
0x27: {  	s1 =	sld [smem:$0x3FAE]  }
0x28: {  	s2 =	sld [smem:$0x3FAF]  }
0x29: {  	s4 =	sld [smem:$0x3FB1]  }
0x2a: {  	p0 =	seq.s32 s5, $0x0;
	s5 =	sld [smem:$0x3FB2]  }
0x2b: {  	s6 =	sld [smem:$0x3FB3]  }
0x2c: {  	s7 =	sld [smem:$0x3FB4]  }
0x2d: {  	s3 =	simm.s32 $0x108;
	s8 =	sld [smem:$0x3FB5]  }
0x2e: {  	s3 =	simm.s32 @!p0 $0x1082;
	s9 =	sld [smem:$0x3FB6]  }
0x2f: {  	lr =	sadd.s32 s0, s3;
	s0 =	sld [smem:$0x3FAD]  }
0x30: {  	s3 =	sld [smem:$0x3FB0]  }
0x31: {  	[smem:$0x3FB9] =	sst s10  }
0x32: {  	s10 =	sld [smem:$0x3FB7];
	_ =	sdelay $0x3  }
0x33: {  	p0 =	seq.s32 s10, $0x1;
	s10 =	sld [smem:$0x3FB9];
	_ =	sdelay $0x3  }
0x34: {  	[smem:$0x3FB9] =	sst s10  }
0x35: {  	s10 =	sld [smem:$0x3FB8];
	_ =	sdelay $0x3  }
0x36: {  	p1 =	seq.s32 s10, $0x1;
	s10 =	sld [smem:$0x3FB9];
	_ =	sdelay $0x3  }
0x37: {  	[smem:$0x3FB9] =	sst s10  }
0x38: {  	s10 =	sld [smem:$0x3FBA]  }
0x39: {  	_ = 	snop;
	(pc) =	sbr.ind lr, $3  }
0x3a: {  	_ = 	snop  }
0x3b: {  	_ = 	snop  }
0x3c: {  	p2 =	seq.s32 s10, $0x1;
	s10 =	sld [smem:$0x3FB9]  }
0x3d: {  	_ =	shalt  }
0x3e: {  	_ =	shalt  }
0x3f: {  	_ =	shalt  }
0x40: {  	_ =	shalt  }
0x41: {  	_ =	shalt  }
0x42: {  	_ =	shalt  }
0x43: {  	_ =	shalt  }
0x44: {  	_ =	shalt  }
0x45: {  	_ =	shalt  }
0x46: {  	_ =	shalt  }
0x47: {  	_ =	shalt  }
0x48: {  	_ =	shalt  }
0x49: {  	_ =	shalt  }
0x4a: {  	_ =	shalt  }
0x4b: {  	_ =	shalt  }
0x4c: {  	_ =	shalt  }
0x4d: {  	_ =	shalt  }
0x4e: {  	_ =	shalt  }
0x4f: {  	_ =	shalt  }
0x50: {  	_ =	shalt  }
0x51: {  	_ =	shalt  }
0x52: {  	_ =	shalt  }
0x53: {  	_ =	shalt  }
0x54: {  	_ =	shalt  }
0x55: {  	_ =	shalt  }
0x56: {  	_ =	shalt  }
0x57: {  	_ =	shalt  }
0x58: {  	_ =	shalt  }
0x59: {  	_ =	shalt  }
0x5a: {  	_ =	shalt  }
0x5b: {  	_ =	shalt  }
0x5c: {  	_ =	shalt  }
0x5d: {  	_ =	shalt  }
0x5e: {  	_ =	shalt  }
0x5f: {  	_ =	shalt  }
0x60: {  	_ =	shalt  }
0x61: {  	_ =	shalt  }
0x62: {  	_ =	shalt  }
0x63: {  	_ =	shalt  }
0x64: {  	_ =	shalt  }
0x65: {  	_ =	shalt  }
0x66: {  	_ =	shalt  }
0x67: {  	_ =	shalt  }
0x68: {  	_ =	shalt  }
0x69: {  	_ =	shalt  }
0x6a: {  	_ =	shalt  }
0x6b: {  	_ =	shalt  }
0x6c: {  	_ =	shalt  }
0x6d: {  	_ =	shalt  }
0x6e: {  	_ =	shalt  }
0x6f: {  	_ =	shalt  }
0x70: {  	_ =	shalt  }
0x71: {  	_ =	shalt  }
0x72: {  	_ =	shalt  }
0x73: {  	_ =	shalt  }
0x74: {  	_ =	shalt  }
0x75: {  	_ =	shalt  }
0x76: {  	_ =	shalt  }
0x77: {  	_ =	shalt  }
0x78: {  	_ =	shalt  }
0x79: {  	_ =	shalt  }
0x7a: {  	_ =	shalt  }
0x7b: {  	_ =	shalt  }
0x7c: {  	_ =	shalt  }
0x7d: {  	_ =	shalt  }
0x7e: {  	_ =	shalt  }
0x7f: {  	_ =	shalt  }
0x80: {  	_ =	shalt  }
0x81: {  	_ =	shalt  }
0x82: {  	_ =	shalt  }
0x83: {  	_ =	shalt  }
0x84: {  	_ =	shalt  }
0x85: {  	_ =	shalt  }
0x86: {  	_ =	shalt  }
0x87: {  	_ =	shalt  }
.Lfunc_end0:
.L_simem_size_0:
called_computation_lowered:
.L_overlay_start_0:
0x88: {  	s2 =	sld [smem:$0x3FD9]  }
0x89: {  	s3 =	sld [smem:$0x3FFE];
	_ =	sdelay $0x1  }
0x8a: {  	s1 =	srdreg.scid  }
0x8b: {  	s0 =	sand.u32 $0x1, s1  }
0x8c: {  	s17 =	sshll.u32 s0, $0xA;
	s2 =	sadd.s32 s3, s2  }
0x8d: {  	s2 =	sadd.s32 s2, s17  }
0x8e: {  	[smem:$0x3FC5] =	sst s2  }
0x8f: {  	_ = 	snop  }
0x90: {  	s2 =	sld [smem:$0x3FC9]  }
0x91: {  	s18 =	sld [smem:$0x3FC8];
	(tm) =	ssettm $0x1  }
0x92: {  	s4 =	sld [smem:$0x3FFB];
	_ =	sdelay $0x3  }
0x93: {  	_ =	strace s4  }
0x94: {  	s4 =	sld [smem:$0x3FFC];
	_ =	sdelay $0x3  }
0x95: {  	_ =	strace s4  }
0x96: {  	s4 =	sld [smem:$0x3FFD];
	_ =	sdelay $0x3  }
0x97: {  	_ =	strace s4  }
0x98: {  	_ =	strace $0x8FFFFFFF  }
0x99: {  	s19 =	sld [smem:$0x3FDB];
	_ =	sdelay $0x1  }
0x9a: {  	s5 =	simm.s32 $_scs_section_size  }
0x9b: {  	s6 =	simm.s32 $_size__tile_overlayer_lowered;
	s7 =	simm.s32 $_tile_overlayer_lowered  }
0x9c: {  	s22 =	simm.s32 $0x1BFF;
	s21 =	sshll.u32 s7, $0x1;
	s4 =	sadd.s32 s5, s19  }
0x9d: {  	s8 =	simm.s32 $0x0;
	s20 =	sshll.u32 s6, $0x1;
	s6 =	sadd.s32 s21, s4  }
0x9e: {  	[timem:s8], [sflag:s22] =	dma.local [hbm:s6], s20  }
0x9f: {  	_ =	swait.ge [sflag:s22], s20  }
0xa0: {  	s5 =	ssub.s32 $0x0, s20;
	[sflag:s22] =	ssyncset.done $0x0  }
0xa1: {  	[sflag:s22] =	ssyncadd.s32 s5;
	_ =	sdelay $0x1  }
0xa2: {  	s23 =	simm.s32 $0x1B8B  }
0xa3: {  	_ =	swait.ge [sflag:s23], $0x1  }
0xa4: {  	[sflag:s23] =	ssyncset.done $0x0  }
0xa5: {  	s25 =	simm.s32 $0x1B8E;
	s24 =	sld [smem:$0x3FFE];
	[sflag:s23] =	ssyncadd.s32 $0xFFFFFFFF  }
0xa6: {  	s26 =	simm.s32 $execute0_lowered;
	[smem:$0x3FD2] =	sst s25  }
0xa7: {  	s6 =	sshll.u32 s26, $0x1;
	_ =	strace $0x80000046;
	[dreg:$0x1] =	wrdreg $0xFFFFFFFF  }
0xa8: {  	s28 =	simm.s32 $_size_execute0_lowered;
	s4 =	sadd.s32 s4, s6;
	[dreg:$0x0] =	wrdreg $0x0  }
0xa9: {  	s6 =	sshll.u32 s28, $0x1;
	[dreg:$0x2] =	wrdreg s4  }
0xaa: {  	[dreg:$0x3] =	wrdreg s6  }
0xab: {  	[dreg:$0x4] =	wrdreg $0xC0  }
0xac: {  	_ =	task [dreg:s8], $0x5FFFF  }
0xad: {  	[dreg:$0x1] =	wrdreg $0xFFFFFFFF  }
0xae: {  	[dreg:$0x0] =	wrdreg $0x60  }
0xaf: {  	[dreg:$0x2] =	wrdreg s2  }
0xb0: {  	[dreg:$0x3] =	wrdreg s18  }
0xb1: {  	[dreg:$0x4] =	wrdreg s24  }
0xb2: {  	[dreg:$0x5] =	wrdreg $0x9  }
0xb3: {  	_ =	task.clear_ibuf [dreg:s8], $0x6FFFF;
	_ =	strace $0x90000046  }
0xb4: {  	s29 =	simm.s32 $0x9;
	_ =	strace $0x80000048  }
0xb5: {  	_ =	swait.ge [sflag:s29], $0x1  }
0xb6: {  	[sflag:s29] =	ssyncadd.s32 $0xFFFFFFFF  }
0xb7: {  	_ =	strace $0x90000048  }
0xb8: {  	_ =	sfence  }
0xb9: {  	s30 =	sld [smem:$0x0];
	_ =	sdelay $0x2  }
0xba: {  	s31 =	sshll.u32 s1, $0xD;
	s1 =	sshrl.u32 s1, $0x2  }
0xbb: {  	s3 =	sand.u32 $0x4000, s31;
	s1 =	sadd.s32 s1, s30  }
0xbc: {  	s0 =	sor.u32 s3, s0;
	s1 =	sshll.u32 s1, $0x11  }
0xbd: {  	s0 =	sor.u32 s1, s0  }
0xbe: {  	s0 =	sadd.s32 $0x8F2B, s0  }
0xbf: {  	[sflag:s0] =	ssyncadd.remote.s32 $0x1  }
0xc0: {  	_ =	sfence.sel $0xFFFF  }
0xc1: {  	[dreg:$0x0] =	wrdreg $0xFFFFFFFF;
	(pc) =	sbr.abs _section_cstart, $3  }
0xc2: {  	[dreg:$0x1] =	wrdreg $0xFFFFFFFF  }
0xc3: {  	_ =	task.clear_ibuf [dreg:s8], $0x2FFFF;
	_ =	strace $0x9FFFFFFF  }
0xc4: {  	(tm) =	ssettm $0x7FFFFFFF  }
0xc5: {  	_ =	shalt  }
tec
execute0_lowered:
.L_overlay_start_1:
0x0: {  	(tag) =	ssettag $0x1  }
0x1: {  	s5 =	rddreg [dreg:$0x0]  }
0x2: {  	s4 =	rddreg [dreg:$0x1]  }
0x3: {  	s6 =	rddreg [dreg:$0x2]  }
0x4: {  	s0 =	rddreg [dreg:$0x3]  }
0x5: {  	s3 =	srdreg.scid;
	s2 =	simm.s32 $0x0;
	s1 =	stileid.u32  }
0x6: {  	s11 =	simm.s32 $0x100;
	s12 =	simm.s32 $0x400;
	s13 =	simm.s32 $0x1  }
0x7: {  	s14 =	simm.s32 $0x8400;
	s15 =	simm.s32 $0x10400;
	s16 =	simm.s32 $0x2  }
0x8: {  	s17 =	simm.s32 $0x0;
	s7 =	sand.u32 $0x1, s3;
	[smem:$0x7FF] =	sst s2  }
0x9: {  	s30 =	sshll.u32 s1, $0xA;
	s3 =	sadd.s32 $0x186E00, s6;
	s8 =	sshll.u32 s7, $0x9  }
0xa: {  	_ =	strace $0x80000047;
	s7 =	ssub.s32 $0x2, s7;
	s8 =	sor.u32 s8, s30  }
0xb: {  	s31 =	sshrl.u32 s7, $0x1;
	s9 =	sshll.u32 s8, $0x4;
	s8 =	sshrl.u32 s8, $0x3  }
0xc: {  	s10 =	ssub.s32 s7, s31;
	s9 =	sadd.s32 s9, s6;
	s4 =	sadd.s32 s4, s8  }
0xd: {  	v0 =	vlaneseq.u32;
	s5 =	sadd.s32 s5, s8;
	s8 =	smax.u32 s10, $0x1;
	s10 =	simm.s32 $0x200  }
0xe: {  	v0 =	vmul.u32 $0x80, v0;
	s6 =	sadd.s32 $0x400, s9;
	s7 =	sadd.s32 $0x1400, s9;
	s9 =	simm.s32 $0x3  }
.LBB2_1:
0xf: {  	[tilespmem:s2], [sflag:$0x3] =	stream.linear.gather [hbm4b:s4+s2], $0x200, $0x38;
	[tilespmem:$0x18400] =	vst v63  }
0x10: {  	_ =	swait.ge [sflag:s9], $0x200  }
0x11: {  	[sflag:s9] =	ssyncset.done $0x0  }
0x12: {  	[sflag:s9] =	ssyncadd.s32 $0xFFFFFE00  }
0x13: {  	[tilespmem:s10], [sflag:$0x3] =	stream.linear.gather [hbm4b:s5+s2], $0x200, $0x38;
	[tilespmem:$0x18400] =	vst v63  }
0x14: {  	_ =	swait.ge [sflag:s9], $0x200  }
0x15: {  	[sflag:s9] =	ssyncset.done $0x0  }
0x16: {  	[sflag:s9] =	ssyncadd.s32 $0xFFFFFE00  }
0x17: {  	[tilespmem:s12], [sflag:$0x1] =	stream.indirect.gather [hbm4b:s3+s11], $0x80, s2, s11, $0xb8;
	[tilespmem:$0x18400] =	vst v63  }
0x18: {  	_ =	swait.ge [sflag:s13], $0x8000  }
0x19: {  	[sflag:s13] =	ssyncset.done $0x0  }
0x1a: {  	s18 =	simm.s32 $0x0;
	[sflag:s13] =	ssyncadd.s32 $0xFFFF8000  }
0x1b: {  	[tilespmem:s14], [sflag:$0x2] =	stream.indirect.gather [hbm4b:s3+s11], $0x80, s11, s11, $0xb8;
	[tilespmem:$0x18400] =	vst v63  }
0x1c: {  	v1 =	vld [tilespmem:s18+$0x7B0]  }
0x1d: {  	v2 =	vld [tilespmem:s18+$0x400]  }
0x1e: {  	v3 =	vld [tilespmem:s18+$0x410]  }
0x1f: {  	v4 =	vld [tilespmem:s18+$0x420]  }
0x20: {  	v5 =	vld [tilespmem:s18+$0x430]  }
0x21: {  	v6 =	vld [tilespmem:s18+$0x480];
	[tilespmem:s18+$0x107B1] =	vst v1  }
0x22: {  	[tilespmem:s18+$0x10401] =	vst v2;
	v1 =	vld [tilespmem:s18+$0x490]  }
0x23: {  	[tilespmem:s18+$0x10411] =	vst v3;
	v2 =	vld [tilespmem:s18+$0x4A0]  }
0x24: {  	[tilespmem:s18+$0x10421] =	vst v4;
	v3 =	vld [tilespmem:s18+$0x4B0]  }
0x25: {  	[tilespmem:s18+$0x10431] =	vst v5;
	v4 =	vld [tilespmem:s18+$0x500]  }
0x26: {  	[tilespmem:s18+$0x10481] =	vst v6;
	v5 =	vld [tilespmem:s18+$0x510]  }
0x27: {  	v6 =	vld [tilespmem:s18+$0x710];
	[tilespmem:s18+$0x10491] =	vst v1  }
0x28: {  	v1 =	vld [tilespmem:s18+$0x520];
	[tilespmem:s18+$0x104A1] =	vst v2  }
0x29: {  	v2 =	vld [tilespmem:s18+$0x530];
	[tilespmem:s18+$0x104B1] =	vst v3  }
0x2a: {  	v3 =	vld [tilespmem:s18+$0x580];
	[tilespmem:s18+$0x10501] =	vst v4  }
0x2b: {  	v4 =	vld [tilespmem:s18+$0x590];
	[tilespmem:s18+$0x10511] =	vst v5  }
0x2c: {  	v5 =	vld [tilespmem:s18+$0x5A0];
	[tilespmem:s18+$0x10711] =	vst v6  }
0x2d: {  	[tilespmem:s18+$0x10521] =	vst v1;
	v1 =	vld [tilespmem:s18+$0x5B0]  }
0x2e: {  	[tilespmem:s18+$0x10531] =	vst v2;
	v2 =	vld [tilespmem:s18+$0x600]  }
0x2f: {  	[tilespmem:s18+$0x10581] =	vst v3;
	v3 =	vld [tilespmem:s18+$0x610]  }
0x30: {  	[tilespmem:s18+$0x10591] =	vst v4;
	v4 =	vld [tilespmem:s18+$0x620]  }
0x31: {  	[tilespmem:s18+$0x105A1] =	vst v5;
	v5 =	vld [tilespmem:s18+$0x630]  }
0x32: {  	[tilespmem:s18+$0x105B1] =	vst v1;
	v1 =	vld [tilespmem:s18+$0x680]  }
0x33: {  	[tilespmem:s18+$0x10601] =	vst v2;
	v2 =	vld [tilespmem:s18+$0x690]  }
0x34: {  	[tilespmem:s18+$0x10611] =	vst v3;
	v3 =	vld [tilespmem:s18+$0x6A0]  }
0x35: {  	[tilespmem:s18+$0x10621] =	vst v4;
	v4 =	vld [tilespmem:s18+$0x6B0]  }
0x36: {  	[tilespmem:s18+$0x10631] =	vst v5;
	v5 =	vld [tilespmem:s18+$0x700]  }
0x37: {  	[tilespmem:s18+$0x10681] =	vst v1;
	v1 =	vld [tilespmem:s18+$0x720]  }
0x38: {  	[tilespmem:s18+$0x10691] =	vst v2;
	v2 =	vld [tilespmem:s18+$0x730]  }
0x39: {  	[tilespmem:s18+$0x106A1] =	vst v3;
	v3 =	vld [tilespmem:s18+$0x780]  }
0x3a: {  	[tilespmem:s18+$0x106B1] =	vst v4;
	v4 =	vld [tilespmem:s18+$0x790]  }
0x3b: {  	s20 =	simm.s32 $0x400;
	s19 =	simm.s32 $0x2000;
	[tilespmem:s18+$0x10701] =	vst v5;
	v5 =	vld [tilespmem:s18+$0x7A0]  }
.LBB2_2:
0x3c: {  	p0 =	sne.s32 s19, $0x1F000;
	v6 =	vld [tilespmem:s20+$0x7B0];
	[tilespmem:s18+$0x10721] =	vst v1  }
0x3d: {  	v1 =	vld [tilespmem:s20+$0x400];
	[tilespmem:s18+$0x10731] =	vst v2  }
0x3e: {  	v2 =	vld [tilespmem:s20+$0x410];
	[tilespmem:s18+$0x10781] =	vst v3  }
0x3f: {  	v3 =	vld [tilespmem:s20+$0x420];
	[tilespmem:s18+$0x10791] =	vst v4  }
0x40: {  	v4 =	vld [tilespmem:s20+$0x430];
	[tilespmem:s18+$0x107A1] =	vst v5;
	s18 =	smov.u32 s20  }
0x41: {  	v5 =	vld [tilespmem:s18+$0x480];
	[tilespmem:s18+$0x107B1] =	vst v6  }
0x42: {  	[tilespmem:s18+$0x10401] =	vst v1;
	v1 =	vld [tilespmem:s18+$0x490]  }
0x43: {  	[tilespmem:s18+$0x10411] =	vst v2;
	v2 =	vld [tilespmem:s18+$0x4A0]  }
0x44: {  	[tilespmem:s18+$0x10421] =	vst v3;
	v3 =	vld [tilespmem:s18+$0x4B0]  }
0x45: {  	[tilespmem:s18+$0x10431] =	vst v4;
	v4 =	vld [tilespmem:s18+$0x500]  }
0x46: {  	[tilespmem:s18+$0x10481] =	vst v5;
	v5 =	vld [tilespmem:s18+$0x510]  }
0x47: {  	[tilespmem:s18+$0x10491] =	vst v1;
	v1 =	vld [tilespmem:s18+$0x520]  }
0x48: {  	[tilespmem:s18+$0x104A1] =	vst v2;
	v2 =	vld [tilespmem:s18+$0x530]  }
0x49: {  	[tilespmem:s18+$0x104B1] =	vst v3;
	v3 =	vld [tilespmem:s18+$0x580]  }
0x4a: {  	[tilespmem:s18+$0x10501] =	vst v4;
	v4 =	vld [tilespmem:s18+$0x590]  }
0x4b: {  	[tilespmem:s18+$0x10511] =	vst v5;
	v5 =	vld [tilespmem:s18+$0x5A0]  }
0x4c: {  	[tilespmem:s18+$0x10521] =	vst v1;
	v1 =	vld [tilespmem:s18+$0x5B0]  }
0x4d: {  	[tilespmem:s18+$0x10531] =	vst v2;
	v2 =	vld [tilespmem:s18+$0x600]  }
0x4e: {  	[tilespmem:s18+$0x10581] =	vst v3;
	v3 =	vld [tilespmem:s18+$0x610]  }
0x4f: {  	[tilespmem:s18+$0x10591] =	vst v4;
	v4 =	vld [tilespmem:s18+$0x620]  }
0x50: {  	[tilespmem:s18+$0x105A1] =	vst v5;
	v5 =	vld [tilespmem:s18+$0x630]  }
0x51: {  	[tilespmem:s18+$0x105B1] =	vst v1;
	v1 =	vld [tilespmem:s18+$0x680]  }
0x52: {  	[tilespmem:s18+$0x10601] =	vst v2;
	v2 =	vld [tilespmem:s18+$0x690]  }
0x53: {  	[tilespmem:s18+$0x10611] =	vst v3;
	v3 =	vld [tilespmem:s18+$0x6A0]  }
0x54: {  	[tilespmem:s18+$0x10621] =	vst v4;
	v4 =	vld [tilespmem:s18+$0x6B0]  }
0x55: {  	[tilespmem:s18+$0x10631] =	vst v5;
	v5 =	vld [tilespmem:s18+$0x700]  }
0x56: {  	[tilespmem:s18+$0x10681] =	vst v1;
	v6 =	vld [tilespmem:s18+$0x710]  }
.Ltmp0:
0x57: {  	[tilespmem:s18+$0x10691] =	vst v2;
	v1 =	vld [tilespmem:s18+$0x720];
	(pc) =	sbr.rel @p0 .LBB2_2-.Ltmp0, $4  }
0x58: {  	[tilespmem:s18+$0x106A1] =	vst v3;
	v2 =	vld [tilespmem:s18+$0x730]  }
0x59: {  	[tilespmem:s18+$0x106B1] =	vst v4;
	v3 =	vld [tilespmem:s18+$0x780]  }
0x5a: {  	[tilespmem:s18+$0x10701] =	vst v5;
	v4 =	vld [tilespmem:s18+$0x790]  }
0x5b: {  	s20 =	sshra.s32 s19, $0x2;
	s19 =	sadd.s32 $0x1000, s19;
	[tilespmem:s18+$0x10711] =	vst v6;
	v5 =	vld [tilespmem:s18+$0x7A0]  }
0x5c: {  	v6 =	vld [tilespmem:s20+$0x7B0];
	[tilespmem:s18+$0x10721] =	vst v1  }
0x5d: {  	v1 =	vld [tilespmem:s20+$0x400];
	[tilespmem:s18+$0x10731] =	vst v2  }
0x5e: {  	v2 =	vld [tilespmem:s20+$0x410];
	[tilespmem:s18+$0x10781] =	vst v3  }
0x5f: {  	v3 =	vld [tilespmem:s20+$0x420];
	[tilespmem:s18+$0x10791] =	vst v4  }
0x60: {  	v4 =	vld [tilespmem:s20+$0x430];
	[tilespmem:s18+$0x107A1] =	vst v5  }
0x61: {  	v5 =	vld [tilespmem:s20+$0x480];
	[tilespmem:s20+$0x107B1] =	vst v6  }
0x62: {  	[tilespmem:s20+$0x10401] =	vst v1;
	v1 =	vld [tilespmem:s20+$0x490]  }
0x63: {  	v54 =	vld [tilespmem:s20+$0x500];
	[tilespmem:s20+$0x10411] =	vst v2  }
0x64: {  	v55 =	vld [tilespmem:s20+$0x510];
	[tilespmem:s20+$0x10421] =	vst v3  }
0x65: {  	v2 =	vld [tilespmem:s20+$0x4A0];
	[tilespmem:s20+$0x10431] =	vst v4  }
0x66: {  	v3 =	vld [tilespmem:s20+$0x4B0];
	[tilespmem:s20+$0x10481] =	vst v5  }
0x67: {  	[tilespmem:s20+$0x10491] =	vst v1;
	v1 =	vld [tilespmem:s20+$0x520]  }
0x68: {  	v56 =	vld [tilespmem:s20+$0x590];
	[tilespmem:s20+$0x10501] =	vst v54  }
0x69: {  	v57 =	vld [tilespmem:s20+$0x5A0];
	[tilespmem:s20+$0x10511] =	vst v55  }
0x6a: {  	[tilespmem:s20+$0x104A1] =	vst v2;
	v2 =	vld [tilespmem:s20+$0x530]  }
0x6b: {  	[tilespmem:s20+$0x104B1] =	vst v3;
	v3 =	vld [tilespmem:s20+$0x580]  }
0x6c: {  	[tilespmem:s20+$0x10521] =	vst v1;
	v1 =	vld [tilespmem:s20+$0x5B0]  }
0x6d: {  	v58 =	vld [tilespmem:s20+$0x620];
	[tilespmem:s20+$0x10591] =	vst v56  }
0x6e: {  	v59 =	vld [tilespmem:s20+$0x630];
	[tilespmem:s20+$0x105A1] =	vst v57  }
0x6f: {  	[tilespmem:s20+$0x10531] =	vst v2;
	v2 =	vld [tilespmem:s20+$0x600]  }
0x70: {  	[tilespmem:s20+$0x10581] =	vst v3;
	v3 =	vld [tilespmem:s20+$0x610]  }
0x71: {  	[tilespmem:s20+$0x105B1] =	vst v1;
	v1 =	vld [tilespmem:s20+$0x680]  }
0x72: {  	v60 =	vld [tilespmem:s20+$0x6B0];
	[tilespmem:s20+$0x10621] =	vst v58  }
0x73: {  	v61 =	vld [tilespmem:s20+$0x700];
	[tilespmem:s20+$0x10631] =	vst v59  }
0x74: {  	[tilespmem:s20+$0x10601] =	vst v2;
	v2 =	vld [tilespmem:s20+$0x690]  }
0x75: {  	[tilespmem:s20+$0x10611] =	vst v3;
	v3 =	vld [tilespmem:s20+$0x6A0]  }
0x76: {  	[tilespmem:s20+$0x10681] =	vst v1;
	v1 =	vld [tilespmem:s20+$0x710]  }
0x77: {  	v62 =	vld [tilespmem:s20+$0x780];
	[tilespmem:s20+$0x106B1] =	vst v60  }
0x78: {  	v63 =	vld [tilespmem:s20+$0x790];
	[tilespmem:s20+$0x10701] =	vst v61  }
0x79: {  	[tilespmem:s20+$0x10691] =	vst v2;
	v2 =	vld [tilespmem:s20+$0x720]  }
0x7a: {  	[tilespmem:s20+$0x106A1] =	vst v3;
	v3 =	vld [tilespmem:s20+$0x730]  }
0x7b: {  	[tilespmem:s20+$0x10711] =	vst v1;
	v1 =	vld [tilespmem:s20+$0x7A0]  }
0x7c: {  	[tilespmem:s20+$0x10781] =	vst v62  }
0x7d: {  	[tilespmem:s20+$0x10791] =	vst v63  }
0x7e: {  	s31 =	simm.s32 $0x0;
	[tilespmem:s20+$0x10721] =	vst v2  }
0x7f: {  	v2 =	vmov s31;
	[tilespmem:s20+$0x10731] =	vst v3  }
0x80: {  	s18 =	simm.s32 $0x200;
	v2 =	vshll.u32 v2, $0x7;
	[tilespmem:s20+$0x107A1] =	vst v1  }
0x81: {  	s19 =	simm.s32 $0x10;
	v2 =	vor.u32 v0, v2;
	v1 =	vld [tilespmem:s18+$0x0]  }
.LBB2_4:
0x82: {  	p0 =	sne.s32 s19, $0xF0  }
.Ltmp1:
0x83: {  	_ = 	snop;
	(pc) =	sbr.rel @p0 .LBB2_4-.Ltmp1, $4  }
0x84: {  	_ = 	snop  }
0x85: {  	v3 =	vmov s19;
	s19 =	sadd.s32 $0x10, s19  }
0x86: {  	s18 =	sadd.s32 $0x10, s18;
	v3 =	vshll.u32 v3, $0x7;
	[tilespmem:v2+s15+$0x0] =	vst.idx.msk $0xffff, v1  }
0x87: {  	v2 =	vor.u32 v0, v3;
	v1 =	vld [tilespmem:s18+$0x0]  }
0x88: {  	_ =	sdelay $0x3  }
0x89: {  	s18 =	simm.s32 $0x0;
	[tilespmem:v2+s15+$0x0] =	vst.idx.msk $0xffff, v1  }
0x8a: {  	[hbm4b:s6+s18] =	stream.linear.scatter [tilespmem:s15], [sflag:$0x3], $0x8000, $0x38;
	[tilespmem:$0x18400] =	vst v63  }
0x8b: {  	_ =	swait.ge [sflag:s9], $0x8000  }
0x8c: {  	[sflag:s9] =	ssyncset.done $0x0  }
0x8d: {  	[sflag:s9] =	ssyncadd.s32 $0xFFFF8000  }
0x8e: {  	_ =	swait.ge [sflag:s16], $0x8000  }
0x8f: {  	[sflag:s16] =	ssyncset.done $0x0  }
0x90: {  	s19 =	simm.s32 $0x0;
	[sflag:s16] =	ssyncadd.s32 $0xFFFF8000  }
0x91: {  	v1 =	vld [tilespmem:s19+$0x87B0]  }
0x92: {  	v2 =	vld [tilespmem:s19+$0x8400]  }
0x93: {  	v3 =	vld [tilespmem:s19+$0x8410]  }
0x94: {  	v4 =	vld [tilespmem:s19+$0x8420]  }
0x95: {  	v5 =	vld [tilespmem:s19+$0x8430]  }
0x96: {  	v6 =	vld [tilespmem:s19+$0x8480];
	[tilespmem:s19+$0x107B1] =	vst v1  }
0x97: {  	[tilespmem:s19+$0x10401] =	vst v2;
	v1 =	vld [tilespmem:s19+$0x8490]  }
0x98: {  	[tilespmem:s19+$0x10411] =	vst v3;
	v2 =	vld [tilespmem:s19+$0x84A0]  }
0x99: {  	[tilespmem:s19+$0x10421] =	vst v4;
	v3 =	vld [tilespmem:s19+$0x84B0]  }
0x9a: {  	[tilespmem:s19+$0x10431] =	vst v5;
	v4 =	vld [tilespmem:s19+$0x8500]  }
0x9b: {  	[tilespmem:s19+$0x10481] =	vst v6;
	v5 =	vld [tilespmem:s19+$0x8510]  }
0x9c: {  	v6 =	vld [tilespmem:s19+$0x8710];
	[tilespmem:s19+$0x10491] =	vst v1  }
0x9d: {  	v1 =	vld [tilespmem:s19+$0x8520];
	[tilespmem:s19+$0x104A1] =	vst v2  }
0x9e: {  	v2 =	vld [tilespmem:s19+$0x8530];
	[tilespmem:s19+$0x104B1] =	vst v3  }
0x9f: {  	v3 =	vld [tilespmem:s19+$0x8580];
	[tilespmem:s19+$0x10501] =	vst v4  }
0xa0: {  	v4 =	vld [tilespmem:s19+$0x8590];
	[tilespmem:s19+$0x10511] =	vst v5  }
0xa1: {  	v5 =	vld [tilespmem:s19+$0x85A0];
	[tilespmem:s19+$0x10711] =	vst v6  }
0xa2: {  	[tilespmem:s19+$0x10521] =	vst v1;
	v1 =	vld [tilespmem:s19+$0x85B0]  }
0xa3: {  	[tilespmem:s19+$0x10531] =	vst v2;
	v2 =	vld [tilespmem:s19+$0x8600]  }
0xa4: {  	[tilespmem:s19+$0x10581] =	vst v3;
	v3 =	vld [tilespmem:s19+$0x8610]  }
0xa5: {  	[tilespmem:s19+$0x10591] =	vst v4;
	v4 =	vld [tilespmem:s19+$0x8620]  }
0xa6: {  	[tilespmem:s19+$0x105A1] =	vst v5;
	v5 =	vld [tilespmem:s19+$0x8630]  }
0xa7: {  	[tilespmem:s19+$0x105B1] =	vst v1;
	v1 =	vld [tilespmem:s19+$0x8680]  }
0xa8: {  	[tilespmem:s19+$0x10601] =	vst v2;
	v2 =	vld [tilespmem:s19+$0x8690]  }
0xa9: {  	[tilespmem:s19+$0x10611] =	vst v3;
	v3 =	vld [tilespmem:s19+$0x86A0]  }
0xaa: {  	[tilespmem:s19+$0x10621] =	vst v4;
	v4 =	vld [tilespmem:s19+$0x86B0]  }
0xab: {  	[tilespmem:s19+$0x10631] =	vst v5;
	v5 =	vld [tilespmem:s19+$0x8700]  }
0xac: {  	[tilespmem:s19+$0x10681] =	vst v1;
	v1 =	vld [tilespmem:s19+$0x8720]  }
0xad: {  	[tilespmem:s19+$0x10691] =	vst v2;
	v2 =	vld [tilespmem:s19+$0x8730]  }
0xae: {  	[tilespmem:s19+$0x106A1] =	vst v3;
	v3 =	vld [tilespmem:s19+$0x8780]  }
0xaf: {  	[tilespmem:s19+$0x106B1] =	vst v4;
	v4 =	vld [tilespmem:s19+$0x8790]  }
0xb0: {  	s21 =	simm.s32 $0x400;
	s20 =	simm.s32 $0x2000;
	[tilespmem:s19+$0x10701] =	vst v5;
	v5 =	vld [tilespmem:s19+$0x87A0]  }
.LBB2_6:
0xb1: {  	p0 =	sne.s32 s20, $0x1F000;
	v6 =	vld [tilespmem:s21+$0x87B0];
	[tilespmem:s19+$0x10721] =	vst v1  }
0xb2: {  	v1 =	vld [tilespmem:s21+$0x8400];
	[tilespmem:s19+$0x10731] =	vst v2  }
0xb3: {  	v2 =	vld [tilespmem:s21+$0x8410];
	[tilespmem:s19+$0x10781] =	vst v3  }
0xb4: {  	v3 =	vld [tilespmem:s21+$0x8420];
	[tilespmem:s19+$0x10791] =	vst v4  }
0xb5: {  	v4 =	vld [tilespmem:s21+$0x8430];
	[tilespmem:s19+$0x107A1] =	vst v5;
	s19 =	smov.u32 s21  }
0xb6: {  	v5 =	vld [tilespmem:s19+$0x8480];
	[tilespmem:s19+$0x107B1] =	vst v6  }
0xb7: {  	[tilespmem:s19+$0x10401] =	vst v1;
	v1 =	vld [tilespmem:s19+$0x8490]  }
0xb8: {  	[tilespmem:s19+$0x10411] =	vst v2;
	v2 =	vld [tilespmem:s19+$0x84A0]  }
0xb9: {  	[tilespmem:s19+$0x10421] =	vst v3;
	v3 =	vld [tilespmem:s19+$0x84B0]  }
0xba: {  	[tilespmem:s19+$0x10431] =	vst v4;
	v4 =	vld [tilespmem:s19+$0x8500]  }
0xbb: {  	[tilespmem:s19+$0x10481] =	vst v5;
	v5 =	vld [tilespmem:s19+$0x8510]  }
0xbc: {  	[tilespmem:s19+$0x10491] =	vst v1;
	v1 =	vld [tilespmem:s19+$0x8520]  }
0xbd: {  	[tilespmem:s19+$0x104A1] =	vst v2;
	v2 =	vld [tilespmem:s19+$0x8530]  }
0xbe: {  	[tilespmem:s19+$0x104B1] =	vst v3;
	v3 =	vld [tilespmem:s19+$0x8580]  }
0xbf: {  	[tilespmem:s19+$0x10501] =	vst v4;
	v4 =	vld [tilespmem:s19+$0x8590]  }
0xc0: {  	[tilespmem:s19+$0x10511] =	vst v5;
	v5 =	vld [tilespmem:s19+$0x85A0]  }
0xc1: {  	[tilespmem:s19+$0x10521] =	vst v1;
	v1 =	vld [tilespmem:s19+$0x85B0]  }
0xc2: {  	[tilespmem:s19+$0x10531] =	vst v2;
	v2 =	vld [tilespmem:s19+$0x8600]  }
0xc3: {  	[tilespmem:s19+$0x10581] =	vst v3;
	v3 =	vld [tilespmem:s19+$0x8610]  }
0xc4: {  	[tilespmem:s19+$0x10591] =	vst v4;
	v4 =	vld [tilespmem:s19+$0x8620]  }
0xc5: {  	[tilespmem:s19+$0x105A1] =	vst v5;
	v5 =	vld [tilespmem:s19+$0x8630]  }
0xc6: {  	[tilespmem:s19+$0x105B1] =	vst v1;
	v1 =	vld [tilespmem:s19+$0x8680]  }
0xc7: {  	[tilespmem:s19+$0x10601] =	vst v2;
	v2 =	vld [tilespmem:s19+$0x8690]  }
0xc8: {  	[tilespmem:s19+$0x10611] =	vst v3;
	v3 =	vld [tilespmem:s19+$0x86A0]  }
0xc9: {  	[tilespmem:s19+$0x10621] =	vst v4;
	v4 =	vld [tilespmem:s19+$0x86B0]  }
0xca: {  	[tilespmem:s19+$0x10631] =	vst v5;
	v5 =	vld [tilespmem:s19+$0x8700]  }
0xcb: {  	[tilespmem:s19+$0x10681] =	vst v1;
	v6 =	vld [tilespmem:s19+$0x8710]  }
.Ltmp2:
0xcc: {  	[tilespmem:s19+$0x10691] =	vst v2;
	v1 =	vld [tilespmem:s19+$0x8720];
	(pc) =	sbr.rel @p0 .LBB2_6-.Ltmp2, $4  }
0xcd: {  	[tilespmem:s19+$0x106A1] =	vst v3;
	v2 =	vld [tilespmem:s19+$0x8730]  }
0xce: {  	[tilespmem:s19+$0x106B1] =	vst v4;
	v3 =	vld [tilespmem:s19+$0x8780]  }
0xcf: {  	[tilespmem:s19+$0x10701] =	vst v5;
	v4 =	vld [tilespmem:s19+$0x8790]  }
0xd0: {  	s21 =	sshra.s32 s20, $0x2;
	s20 =	sadd.s32 $0x1000, s20;
	[tilespmem:s19+$0x10711] =	vst v6;
	v5 =	vld [tilespmem:s19+$0x87A0]  }
0xd1: {  	v6 =	vld [tilespmem:s21+$0x87B0];
	[tilespmem:s19+$0x10721] =	vst v1  }
0xd2: {  	v1 =	vld [tilespmem:s21+$0x8400];
	[tilespmem:s19+$0x10731] =	vst v2  }
0xd3: {  	v2 =	vld [tilespmem:s21+$0x8410];
	[tilespmem:s19+$0x10781] =	vst v3  }
0xd4: {  	v3 =	vld [tilespmem:s21+$0x8420];
	[tilespmem:s19+$0x10791] =	vst v4  }
0xd5: {  	v4 =	vld [tilespmem:s21+$0x8430];
	[tilespmem:s19+$0x107A1] =	vst v5  }
0xd6: {  	v5 =	vld [tilespmem:s21+$0x8480];
	[tilespmem:s21+$0x107B1] =	vst v6  }
0xd7: {  	[tilespmem:s21+$0x10401] =	vst v1;
	v1 =	vld [tilespmem:s21+$0x8490]  }
0xd8: {  	v54 =	vld [tilespmem:s21+$0x8500];
	[tilespmem:s21+$0x10411] =	vst v2  }
0xd9: {  	v55 =	vld [tilespmem:s21+$0x8510];
	[tilespmem:s21+$0x10421] =	vst v3  }
0xda: {  	v2 =	vld [tilespmem:s21+$0x84A0];
	[tilespmem:s21+$0x10431] =	vst v4  }
0xdb: {  	v3 =	vld [tilespmem:s21+$0x84B0];
	[tilespmem:s21+$0x10481] =	vst v5  }
0xdc: {  	[tilespmem:s21+$0x10491] =	vst v1;
	v1 =	vld [tilespmem:s21+$0x8520]  }
0xdd: {  	v56 =	vld [tilespmem:s21+$0x8590];
	[tilespmem:s21+$0x10501] =	vst v54  }
0xde: {  	v57 =	vld [tilespmem:s21+$0x85A0];
	[tilespmem:s21+$0x10511] =	vst v55  }
0xdf: {  	[tilespmem:s21+$0x104A1] =	vst v2;
	v2 =	vld [tilespmem:s21+$0x8530]  }
0xe0: {  	[tilespmem:s21+$0x104B1] =	vst v3;
	v3 =	vld [tilespmem:s21+$0x8580]  }
0xe1: {  	[tilespmem:s21+$0x10521] =	vst v1;
	v1 =	vld [tilespmem:s21+$0x85B0]  }
0xe2: {  	v58 =	vld [tilespmem:s21+$0x8620];
	[tilespmem:s21+$0x10591] =	vst v56  }
0xe3: {  	v59 =	vld [tilespmem:s21+$0x8630];
	[tilespmem:s21+$0x105A1] =	vst v57  }
0xe4: {  	[tilespmem:s21+$0x10531] =	vst v2;
	v2 =	vld [tilespmem:s21+$0x8600]  }
0xe5: {  	[tilespmem:s21+$0x10581] =	vst v3;
	v3 =	vld [tilespmem:s21+$0x8610]  }
0xe6: {  	[tilespmem:s21+$0x105B1] =	vst v1;
	v1 =	vld [tilespmem:s21+$0x8680]  }
0xe7: {  	v60 =	vld [tilespmem:s21+$0x86B0];
	[tilespmem:s21+$0x10621] =	vst v58  }
0xe8: {  	v61 =	vld [tilespmem:s21+$0x8700];
	[tilespmem:s21+$0x10631] =	vst v59  }
0xe9: {  	[tilespmem:s21+$0x10601] =	vst v2;
	v2 =	vld [tilespmem:s21+$0x8690]  }
0xea: {  	[tilespmem:s21+$0x10611] =	vst v3;
	v3 =	vld [tilespmem:s21+$0x86A0]  }
0xeb: {  	[tilespmem:s21+$0x10681] =	vst v1;
	v1 =	vld [tilespmem:s21+$0x8710]  }
0xec: {  	v62 =	vld [tilespmem:s21+$0x8780];
	[tilespmem:s21+$0x106B1] =	vst v60  }
0xed: {  	v63 =	vld [tilespmem:s21+$0x8790];
	[tilespmem:s21+$0x10701] =	vst v61  }
0xee: {  	[tilespmem:s21+$0x10691] =	vst v2;
	v2 =	vld [tilespmem:s21+$0x8720]  }
0xef: {  	[tilespmem:s21+$0x106A1] =	vst v3;
	v3 =	vld [tilespmem:s21+$0x8730]  }
0xf0: {  	[tilespmem:s21+$0x10711] =	vst v1;
	v1 =	vld [tilespmem:s21+$0x87A0]  }
0xf1: {  	[tilespmem:s21+$0x10781] =	vst v62  }
0xf2: {  	[tilespmem:s21+$0x10791] =	vst v63  }
0xf3: {  	[tilespmem:s21+$0x10721] =	vst v2  }
0xf4: {  	v2 =	vmov s18;
	[tilespmem:s21+$0x10731] =	vst v3  }
0xf5: {  	s31 =	sand.u32 $0xF0, s18;
	v2 =	vshll.u32 v2, $0x7;
	[tilespmem:s21+$0x107A1] =	vst v1  }
0xf6: {  	s18 =	simm.s32 $0x10;
	v2 =	vor.u32 v0, v2;
	v1 =	vld [tilespmem:s31+$0x300]  }
.LBB2_8:
0xf7: {  	p0 =	sne.s32 s18, $0xF0  }
.Ltmp3:
0xf8: {  	_ = 	snop;
	(pc) =	sbr.rel @p0 .LBB2_8-.Ltmp3, $4  }
0xf9: {  	_ = 	snop  }
0xfa: {  	v3 =	vmov s18;
	s19 =	smov.u32 s18;
	s18 =	sadd.s32 $0x10, s18  }
0xfb: {  	s19 =	sand.u32 $0xF0, s19;
	v3 =	vshll.u32 v3, $0x7;
	[tilespmem:v2+s15+$0x0] =	vst.idx.msk $0xffff, v1  }
0xfc: {  	v2 =	vor.u32 v0, v3;
	v1 =	vld [tilespmem:s19+$0x300]  }
0xfd: {  	_ =	sdelay $0x1  }
0xfe: {  	s17 =	sadd.s32 $0x1, s17  }
0xff: {  	p0 =	sne.s32 s17, s8  }
.Ltmp4:
0x100: {  	[tilespmem:v2+s15+$0x0] =	vst.idx.msk $0xffff, v1;
	(pc) =	sbr.rel @p0 .LBB2_1-.Ltmp4, $4  }
0x101: {  	[hbm4b:s7+s2] =	stream.linear.scatter [tilespmem:s15], [sflag:$0x3], $0x8000, $0x38;
	[tilespmem:$0x18400] =	vst v63  }
0x102: {  	_ =	swait.ge [sflag:s9], $0x8000  }
0x103: {  	[sflag:s9] =	ssyncset.done $0x0  }
0x104: {  	[sflag:s9] =	ssyncadd.s32 $0xFFFF8000  }
0x105: {  	_ =	sfence.sel $0x180000  }
0x106: {  	[bflag:$0x0] =	sbarrier.arrive $0xFFFF  }
0x107: {  	p0 =	sne.s32 s1, $0x0;
	_ =	strace $0x90000047  }
0x108: {  	s0 =	sadd.s32 @!p0 $0x100000, s0;
	[bflag:$0x2] =	sbarrier.arrive $0xFFFF  }
0x109: {  	[sflag:s0] =	ssyncadd.tile.s32 @!p0 $0x1;
	_ =	shalt  }
.Lfunc_end2:
_tile_overlayer_lowered:
.L_overlay_start_2:
0x10a: {  	(tag) =	ssettag $0x2  }
0x10b: {  	s0 =	rddreg [dreg:$0x0];
	s2 =	stileid.u32  }
0x10c: {  	s1 =	rddreg [dreg:$0x1];
	p0 =	sne.s32 s2, $0x0  }
0x10d: {  	s3 =	rddreg [dreg:$0x2];
	[bflag:$0x3] =	sbarrier.arrive $0xFFFF;
	s2 =	simm.s32 @!p0 $0x1C03  }
0x10e: {  	[timem:s3], [sflag:s2] =	dma.local @!p0 [hbm:s0], s1  }
0x10f: {  	s0 =	simm.s32 @!p0 $0x3  }
0x110: {  	_ =	swait.ge @!p0 [sflag:s0], s1  }
0x111: {  	s1 =	ssub.s32 @!p0 $0x0, s1;
	[sflag:s0] =	ssyncset.done @!p0 $0x0  }
0x112: {  	[sflag:s0] =	ssyncadd.s32 @!p0 s1  }
0x113: {  	[bflag:$0x3] =	sbarrier.arrive $0xFFFF  }
0x114: {  	_ =	shalt  }

</sc_bundles>
